<compile_context>
chip_gen: v7x
topology: tpu7x:2x2x1
jax: 0.10.2.dev20260603
libtpu: 0.0.44.dev20260713+nightly
codegen_flags: <defaults>
</compile_context>

<pallas_src>
import functools

import jax
import jax.numpy as jnp
from jax import lax
from jax.experimental import pallas as pl
from jax.experimental.pallas import tpu as pltpu
from jax.experimental.pallas import tpu_sc as plsc

NUM_EXPERTS = 8
TOP_K = 2
HIDDEN = 1024
INTER = 2048
TOKENS = 2048

RCHUNK = 256
NRC = TOKENS // RCHUNK
TILE_M = 256
NT = (TOKENS * TOP_K) // TILE_M + NUM_EXPERTS
M_PAD = NT * TILE_M

NC, NS, LANES = 2, 16, 16
NW = NC * NS



def _router_body(logits_ref, i0_ref, i1_ref, r0_ref, r1_ref, w0_ref, w1_ref,
                 cnt_ref, carry_ref):
    tc = pl.program_id(0)
    logits = logits_ref[...].astype(jnp.float32)
    m = jnp.max(logits, axis=1, keepdims=True)
    p = jnp.exp(logits - m)
    p = p / jnp.sum(p, axis=1, keepdims=True)
    eiota = lax.broadcasted_iota(jnp.int32, p.shape, 1)
    w0 = jnp.max(p, axis=1)
    i0 = jnp.min(jnp.where(p == w0[:, None], eiota, NUM_EXPERTS), axis=1)
    p1 = jnp.where(eiota == i0[:, None], -1.0, p)
    w1 = jnp.max(p1, axis=1)
    i1 = jnp.min(jnp.where(p1 == w1[:, None], eiota, NUM_EXPERTS), axis=1)
    denom = w0 + w1

    lane = lax.broadcasted_iota(jnp.int32, (RCHUNK, 128), 1)
    oh0 = (lane == i0[:, None]).astype(jnp.float32)
    oh1 = (lane == i1[:, None]).astype(jnp.float32)
    oh = (oh0 + oh1).astype(jnp.bfloat16)
    r = lax.broadcasted_iota(jnp.int32, (RCHUNK, RCHUNK), 0)
    c = lax.broadcasted_iota(jnp.int32, (RCHUNK, RCHUNK), 1)
    tril = (r > c).astype(jnp.bfloat16)
    cexcl = lax.dot_general(tril, oh, (((1,), (0,)), ((), ())),
                            preferred_element_type=jnp.float32)

    @pl.when(tc == 0)
    def _():
        carry_ref[...] = jnp.zeros_like(carry_ref)

    carry = carry_ref[...]
    cexcl = cexcl + carry
    r0 = jnp.sum(cexcl * oh0, axis=1)
    r1 = jnp.sum(cexcl * oh1, axis=1)
    new_carry = carry + jnp.sum(oh0 + oh1, axis=0, keepdims=True)
    carry_ref[...] = new_carry

    i0_ref[...] = i0.reshape(1, 1, RCHUNK)
    i1_ref[...] = i1.reshape(1, 1, RCHUNK)
    r0_ref[...] = r0.astype(jnp.int32).reshape(1, 1, RCHUNK)
    r1_ref[...] = r1.astype(jnp.int32).reshape(1, 1, RCHUNK)
    w0_ref[...] = (w0 / denom).reshape(1, 1, RCHUNK)
    w1_ref[...] = (w1 / denom).reshape(1, 1, RCHUNK)
    cnt_ref[...] = new_carry.astype(jnp.int32)


def _router(router_logits):
    outs = pl.pallas_call(
        _router_body,
        grid=(NRC,),
        in_specs=[pl.BlockSpec((RCHUNK, NUM_EXPERTS), lambda tc: (tc, 0))],
        out_specs=[
            pl.BlockSpec((1, 1, RCHUNK), lambda tc: (tc, 0, 0)),
            pl.BlockSpec((1, 1, RCHUNK), lambda tc: (tc, 0, 0)),
            pl.BlockSpec((1, 1, RCHUNK), lambda tc: (tc, 0, 0)),
            pl.BlockSpec((1, 1, RCHUNK), lambda tc: (tc, 0, 0)),
            pl.BlockSpec((1, 1, RCHUNK), lambda tc: (tc, 0, 0)),
            pl.BlockSpec((1, 1, RCHUNK), lambda tc: (tc, 0, 0)),
            pl.BlockSpec((1, 128), lambda tc: (0, 0)),
        ],
        out_shape=[
            jax.ShapeDtypeStruct((NRC, 1, RCHUNK), jnp.int32),
            jax.ShapeDtypeStruct((NRC, 1, RCHUNK), jnp.int32),
            jax.ShapeDtypeStruct((NRC, 1, RCHUNK), jnp.int32),
            jax.ShapeDtypeStruct((NRC, 1, RCHUNK), jnp.int32),
            jax.ShapeDtypeStruct((NRC, 1, RCHUNK), jnp.float32),
            jax.ShapeDtypeStruct((NRC, 1, RCHUNK), jnp.float32),
            jax.ShapeDtypeStruct((1, 128), jnp.int32),
        ],
        scratch_shapes=[pltpu.VMEM((1, 128), jnp.float32)],
        compiler_params=pltpu.CompilerParams(
            dimension_semantics=("arbitrary",)),
    )(router_logits)
    return outs



@functools.lru_cache(maxsize=1)
def _sc_mesh():
    return plsc.VectorSubcoreMesh(core_axis_name="c", subcore_axis_name="s",
                                  num_cores=NC, num_subcores=NS)


def _meta_body(cnt_hbm, i0_hbm, i1_hbm, r0_hbm, r1_hbm, w0_hbm, w1_hbm,
               src_hbm, wsort_hbm, pos0_hbm, pos1_hbm, te_hbm,
               cnt_v, starts_v, pc_v, i0_v, i1_v, r0_v, r1_v, w0_v, w1_v,
               src_v, wsort_v, pos0_v, pos1_v, te_v):
    cid = lax.axis_index("c")
    sid = lax.axis_index("s")

    @pl.when(jnp.logical_and(cid == 0, sid == 0))
    def _():
        pltpu.sync_copy(cnt_hbm.at[pl.ds(0, 16)], cnt_v)
        pltpu.sync_copy(i0_hbm, i0_v)
        pltpu.sync_copy(i1_hbm, i1_v)
        pltpu.sync_copy(r0_hbm, r0_v)
        pltpu.sync_copy(r1_hbm, r1_v)
        pltpu.sync_copy(w0_hbm, w0_v)
        pltpu.sync_copy(w1_hbm, w1_v)

        lane = lax.broadcasted_iota(jnp.int32, (LANES,), 0)
        c = cnt_v[...]
        pc = ((c + (TILE_M - 1)) >> 8) << 8
        pc = jnp.where(lane < NUM_EXPERTS, pc, 0)
        pc_v[...] = pc
        starts = jnp.zeros((LANES,), jnp.int32)
        for k in range(1, NUM_EXPERTS):
            g = plsc.load_gather(pc_v, [jnp.maximum(lane - k, 0)])
            starts = starts + jnp.where(lane >= k, g, 0)
        starts_v[...] = starts

        zeros16 = jnp.zeros((LANES,), jnp.int32)
        m0 = lane * TILE_M
        m1 = (lane + LANES) * TILE_M
        te0 = zeros16
        te1 = zeros16
        for e in range(1, NUM_EXPERTS):
            st_b = plsc.load_gather(starts_v,
                                    [jnp.full((LANES,), e, jnp.int32)])
            te0 = te0 + (m0 >= st_b).astype(jnp.int32)
            te1 = te1 + (m1 >= st_b).astype(jnp.int32)
        te_v[pl.ds(0, 16)] = jnp.clip(te0, 0, NUM_EXPERTS - 1)
        te_v[pl.ds(16, 16)] = jnp.clip(te1, 0, NUM_EXPERTS - 1)
        pltpu.sync_copy(te_v, te_hbm)

        def zero_body(i, _):
            src_v[pl.ds(i * LANES, LANES)] = zeros16
            wsort_v[pl.ds(i * LANES, LANES)] = jnp.zeros((LANES,), jnp.float32)
            return _

        lax.fori_loop(0, M_PAD // LANES, zero_body, None)

        def assign_body(i, _):
            base = i * LANES
            toks = base + lane
            e0 = i0_v[pl.ds(base, LANES)]
            p0 = plsc.load_gather(starts_v, [e0]) + r0_v[pl.ds(base, LANES)]
            pos0_v[pl.ds(base, LANES)] = p0
            plsc.store_scatter(src_v, [p0], toks)
            plsc.store_scatter(wsort_v, [p0], w0_v[pl.ds(base, LANES)])
            e1 = i1_v[pl.ds(base, LANES)]
            p1 = plsc.load_gather(starts_v, [e1]) + r1_v[pl.ds(base, LANES)]
            pos1_v[pl.ds(base, LANES)] = p1
            plsc.store_scatter(src_v, [p1], toks)
            plsc.store_scatter(wsort_v, [p1], w1_v[pl.ds(base, LANES)])
            return _

        lax.fori_loop(0, TOKENS // LANES, assign_body, None)

        pltpu.sync_copy(src_v, src_hbm)
        pltpu.sync_copy(wsort_v, wsort_hbm)
        pltpu.sync_copy(pos0_v, pos0_hbm)
        pltpu.sync_copy(pos1_v, pos1_hbm)


def _metadata(cnt, i0, i1, r0, r1, w0, w1):
    f = pl.kernel(
        _meta_body,
        out_type=[
            jax.ShapeDtypeStruct((M_PAD,), jnp.int32),
            jax.ShapeDtypeStruct((M_PAD,), jnp.float32),
            jax.ShapeDtypeStruct((TOKENS,), jnp.int32),
            jax.ShapeDtypeStruct((TOKENS,), jnp.int32),
            jax.ShapeDtypeStruct((NW,), jnp.int32),
        ],
        mesh=_sc_mesh(),
        compiler_params=pltpu.CompilerParams(needs_layout_passes=False),
        scratch_types=[
            pltpu.VMEM((LANES,), jnp.int32),
            pltpu.VMEM((LANES,), jnp.int32),
            pltpu.VMEM((LANES,), jnp.int32),
            pltpu.VMEM((TOKENS,), jnp.int32),
            pltpu.VMEM((TOKENS,), jnp.int32),
            pltpu.VMEM((TOKENS,), jnp.int32),
            pltpu.VMEM((TOKENS,), jnp.int32),
            pltpu.VMEM((TOKENS,), jnp.float32),
            pltpu.VMEM((TOKENS,), jnp.float32),
            pltpu.VMEM((M_PAD,), jnp.int32),
            pltpu.VMEM((M_PAD,), jnp.float32),
            pltpu.VMEM((TOKENS,), jnp.int32),
            pltpu.VMEM((TOKENS,), jnp.int32),
            pltpu.VMEM((NW,), jnp.int32),
        ],
    )
    return f(cnt, i0, i1, r0, r1, w0, w1)



G_ROWS = M_PAD // NW
G_CHUNK = 96


def _gather_body(src_hbm, x_hbm, xs_hbm, idx_v, buf_v, sem):
    wid = lax.axis_index("s") * NC + lax.axis_index("c")
    base = wid * G_ROWS

    def chunk(j, _):
        b = base + j * G_CHUNK
        pltpu.sync_copy(src_hbm.at[pl.ds(b, G_CHUNK)], idx_v)
        pltpu.async_copy(x_hbm.at[idx_v], buf_v, sem).wait()
        pltpu.sync_copy(buf_v, xs_hbm.at[pl.ds(b, G_CHUNK)])
        return _

    lax.fori_loop(0, G_ROWS // G_CHUNK, chunk, None)


def _gather(src, hidden_states):
    f = pl.kernel(
        _gather_body,
        out_type=[jax.ShapeDtypeStruct((M_PAD, HIDDEN), jnp.float32)],
        mesh=_sc_mesh(),
        compiler_params=pltpu.CompilerParams(needs_layout_passes=False),
        scratch_types=[
            pltpu.VMEM((G_CHUNK,), jnp.int32),
            pltpu.VMEM((G_CHUNK, HIDDEN), jnp.float32),
            pltpu.SemaphoreType.DMA,
        ],
    )
    return f(src, hidden_states)[0]




def _mm_body(te_ref, pos0_ref, pos1_ref, w0_ref, w1_ref, x_ref,
             w13_ref, w2_ref, o_ref, acc_ref):
    j = pl.program_id(0)
    m = j * TILE_M + lax.broadcasted_iota(jnp.int32, (TILE_M, TOKENS), 0)
    eq0 = pos0_ref[...] == m
    eq1 = pos1_ref[...] == m
    perm = jnp.logical_or(eq0, eq1).astype(jnp.bfloat16)
    xt = lax.dot_general(perm, x_ref[...], (((1,), (0,)), ((), ())),
                         preferred_element_type=jnp.float32)
    x = xt.astype(jnp.bfloat16)
    w13 = w13_ref[0]
    w2 = w2_ref[0]
    h = lax.dot_general(x, w13, (((1,), (1,)), ((), ())),
                        preferred_element_type=jnp.float32)
    gate = h[:, :INTER]
    up = h[:, INTER:]
    act = (gate * jax.nn.sigmoid(gate) * up).astype(jnp.bfloat16)
    y = lax.dot_general(act, w2, (((1,), (1,)), ((), ())),
                        preferred_element_type=jnp.float32)
    wrow = (jnp.sum(jnp.where(eq0, w0_ref[...], 0.0), axis=1)
            + jnp.sum(jnp.where(eq1, w1_ref[...], 0.0), axis=1))
    wy = (y * wrow[:, None]).astype(jnp.bfloat16)
    scat = lax.dot_general(perm, wy, (((0,), (0,)), ((), ())),
                           preferred_element_type=jnp.float32)

    @pl.when(j == 0)
    def _():
        acc_ref[...] = scat

    @pl.when(j > 0)
    def _():
        acc_ref[...] = acc_ref[...] + scat

    @pl.when(j == NT - 1)
    def _():
        o_ref[...] = acc_ref[...]


def _grouped_matmul(te, pos0, pos1, w0, w1, x_bf, w13, w2):
    grid_spec = pltpu.PrefetchScalarGridSpec(
        num_scalar_prefetch=1,
        grid=(NT,),
        in_specs=[
            pl.BlockSpec((1, TOKENS), lambda j, te: (0, 0)),
            pl.BlockSpec((1, TOKENS), lambda j, te: (0, 0)),
            pl.BlockSpec((1, TOKENS), lambda j, te: (0, 0)),
            pl.BlockSpec((1, TOKENS), lambda j, te: (0, 0)),
            pl.BlockSpec((TOKENS, HIDDEN), lambda j, te: (0, 0)),
            pl.BlockSpec((1, 2 * INTER, HIDDEN), lambda j, te: (te[j], 0, 0)),
            pl.BlockSpec((1, HIDDEN, INTER), lambda j, te: (te[j], 0, 0)),
        ],
        out_specs=pl.BlockSpec((TOKENS, HIDDEN), lambda j, te: (0, 0)),
        scratch_shapes=[pltpu.VMEM((TOKENS, HIDDEN), jnp.float32)],
    )
    return pl.pallas_call(
        _mm_body,
        grid_spec=grid_spec,
        out_shape=jax.ShapeDtypeStruct((TOKENS, HIDDEN), jnp.float32),
        compiler_params=pltpu.CompilerParams(
            dimension_semantics=("arbitrary",),
            vmem_limit_bytes=115 * 1024 * 1024),
    )(te, pos0.reshape(1, TOKENS), pos1.reshape(1, TOKENS),
      w0.reshape(1, TOKENS), w1.reshape(1, TOKENS), x_bf, w13, w2)



C_TOKS = TOKENS // NW
C_CHUNK = 32


def _combine_body(pos0_hbm, pos1_hbm, ys_hbm, out_hbm,
                  p0_v, p1_v, buf0_v, buf1_v, sem0, sem1):
    wid = lax.axis_index("s") * NC + lax.axis_index("c")
    base = wid * C_TOKS

    def chunk(j, _):
        b = base + j * C_CHUNK
        pltpu.sync_copy(pos0_hbm.at[pl.ds(b, C_CHUNK)], p0_v)
        pltpu.sync_copy(pos1_hbm.at[pl.ds(b, C_CHUNK)], p1_v)
        cp0 = pltpu.async_copy(ys_hbm.at[p0_v], buf0_v, sem0)
        cp1 = pltpu.async_copy(ys_hbm.at[p1_v], buf1_v, sem1)
        cp0.wait()
        cp1.wait()

        def add_body(it, _):
            row = it // (HIDDEN // LANES)
            off = (it % (HIDDEN // LANES)) * LANES
            buf0_v[row, pl.ds(off, LANES)] = (buf0_v[row, pl.ds(off, LANES)]
                                              + buf1_v[row, pl.ds(off, LANES)])
            return _

        lax.fori_loop(0, (C_CHUNK * HIDDEN) // LANES, add_body, None)
        pltpu.sync_copy(buf0_v, out_hbm.at[pl.ds(b, C_CHUNK)])
        return _

    lax.fori_loop(0, C_TOKS // C_CHUNK, chunk, None)


def _combine(pos0, pos1, ysort):
    f = pl.kernel(
        _combine_body,
        out_type=[jax.ShapeDtypeStruct((TOKENS, HIDDEN), jnp.float32)],
        mesh=_sc_mesh(),
        compiler_params=pltpu.CompilerParams(needs_layout_passes=False),
        scratch_types=[
            pltpu.VMEM((C_CHUNK,), jnp.int32),
            pltpu.VMEM((C_CHUNK,), jnp.int32),
            pltpu.VMEM((C_CHUNK, HIDDEN), jnp.float32),
            pltpu.VMEM((C_CHUNK, HIDDEN), jnp.float32),
            pltpu.SemaphoreType.DMA,
            pltpu.SemaphoreType.DMA,
        ],
    )
    return f(pos0, pos1, ysort)[0]




@jax.jit
def kernel(hidden_states, router_logits, w13_weight, w2_weight):
    i0, i1, r0, r1, w0, w1, cnt = _router(router_logits)
    src, wsort, pos0, pos1, te = _metadata(
        cnt.reshape(128),
        i0.reshape(TOKENS), i1.reshape(TOKENS),
        r0.reshape(TOKENS), r1.reshape(TOKENS),
        w0.reshape(TOKENS), w1.reshape(TOKENS))
    x_bf = hidden_states.astype(jnp.bfloat16)
    return _grouped_matmul(te, pos0, pos1, w0.reshape(TOKENS),
                           w1.reshape(TOKENS), x_bf,
                           w13_weight.astype(jnp.bfloat16),
                           w2_weight.astype(jnp.bfloat16))

# --- scband reference (transcript-rebuilt; emitter-appended) ---
"""Pipeline reference for scband-fused-mo-e-23596550324598 (READ-ONLY COPY).

The authoritative reference and input builder live on the scoring server;
editing this copy changes nothing except your own understanding.
"""

import jax, jax.numpy as jnp
import numpy as np

NUM_EXPERTS = 8
TOP_K = 2
HIDDEN = 1024
INTER = 2048
TOKENS = 2048


def setup_inputs(seed: int = 0) -> dict:
    key = jax.random.key(seed)
    k1, k2, k3, k4 = jax.random.split(key, 4)
    hidden_states = jax.random.normal(k1, (TOKENS, HIDDEN), dtype=jnp.float32)
    router_logits = jax.random.normal(k2, (TOKENS, NUM_EXPERTS), dtype=jnp.float32)
    w13_weight = jax.random.normal(k3, (NUM_EXPERTS, 2 * INTER, HIDDEN), dtype=jnp.float32) * 0.02
    w2_weight = jax.random.normal(k4, (NUM_EXPERTS, HIDDEN, INTER), dtype=jnp.float32) * 0.02
    return {
        "hidden_states": hidden_states,
        "router_logits": router_logits,
        "w13_weight": w13_weight,
        "w2_weight": w2_weight,
    }


def _silu(x):
    return x * jax.nn.sigmoid(x)


def reference(hidden_states, router_logits, w13_weight, w2_weight):
    # Faithful jax translation of vLLM fused_moe with renormalize=True.
    T = hidden_states.shape[0]
    E = w13_weight.shape[0]
    I = w2_weight.shape[2]
    # Router: softmax over experts, pick top_k, renormalize selected weights.
    routing_weights = jax.nn.softmax(router_logits.astype(jnp.float32), axis=-1)
    topk_w, topk_idx = jax.lax.top_k(routing_weights, TOP_K)
    topk_w = topk_w / jnp.sum(topk_w, axis=-1, keepdims=True)
    # Dense combine matrix [T, E]: weight for selected experts, 0 otherwise.
    combine = jnp.zeros((T, E), dtype=jnp.float32).at[
        jnp.arange(T)[:, None], topk_idx
    ].set(topk_w)
    # Expert MLPs: w13 = [w1 (gate); w3 (up)], SiLU(gate) * up, then w2 (down).
    h = jnp.einsum('th,eoh->teo', hidden_states, w13_weight)  # [T, E, 2I]
    gated = _silu(h[:, :, :I]) * h[:, :, I:]                   # [T, E, I]
    expert_out = jnp.einsum('tei,ehi->teh', gated, w2_weight)  # [T, E, H]
    out = jnp.einsum('te,teh->th', combine, expert_out)        # [T, H]
    return out

if __name__ == "__main__":
    import jax
    _d = setup_inputs()
    print(jax.jit(kernel)(*tuple(_d.values())))

</pallas_src>

<mosaic_0001>
#map = affine_map<(d0, d1) -> (0)>
module attributes {stable_mosaic.version = 14 : i64} {
  func.func @_meta_body(%arg0: i32, %arg1: i32, %arg2: memref<128xi32, #tpu.memory_space<hbm>>, %arg3: memref<2048xi32, #tpu.memory_space<hbm>>, %arg4: memref<2048xi32, #tpu.memory_space<hbm>>, %arg5: memref<2048xi32, #tpu.memory_space<hbm>>, %arg6: memref<2048xi32, #tpu.memory_space<hbm>>, %arg7: memref<2048xf32, #tpu.memory_space<hbm>>, %arg8: memref<2048xf32, #tpu.memory_space<hbm>>, %arg9: memref<6144xi32, #tpu.memory_space<hbm>>, %arg10: memref<6144xf32, #tpu.memory_space<hbm>>, %arg11: memref<2048xi32, #tpu.memory_space<hbm>>, %arg12: memref<2048xi32, #tpu.memory_space<hbm>>, %arg13: memref<32xi32, #tpu.memory_space<hbm>>, %arg14: memref<16xi32, #tpu.memory_space<vmem>>, %arg15: memref<16xi32, #tpu.memory_space<vmem>>, %arg16: memref<16xi32, #tpu.memory_space<vmem>>, %arg17: memref<2048xi32, #tpu.memory_space<vmem>>, %arg18: memref<2048xi32, #tpu.memory_space<vmem>>, %arg19: memref<2048xi32, #tpu.memory_space<vmem>>, %arg20: memref<2048xi32, #tpu.memory_space<vmem>>, %arg21: memref<2048xf32, #tpu.memory_space<vmem>>, %arg22: memref<2048xf32, #tpu.memory_space<vmem>>, %arg23: memref<6144xi32, #tpu.memory_space<vmem>>, %arg24: memref<6144xf32, #tpu.memory_space<vmem>>, %arg25: memref<2048xi32, #tpu.memory_space<vmem>>, %arg26: memref<2048xi32, #tpu.memory_space<vmem>>, %arg27: memref<32xi32, #tpu.memory_space<vmem>>) attributes {dimension_semantics = [#tpu.dimension_semantics<core_parallel>, #tpu.dimension_semantics<subcore_parallel>], iteration_bounds = array<i64: 2, 16>, scalar_prefetch = 0 : i64, scratch_operands = 14 : i64, tpu.core_type = #tpu.core_type<sc_vector_subcore>, window_params = [{transform_indices = #map}, {transform_indices = #map}, {transform_indices = #map}, {transform_indices = #map}, {transform_indices = #map}, {transform_indices = #map}, {transform_indices = #map}, {transform_indices = #map}, {transform_indices = #map}, {transform_indices = #map}, {transform_indices = #map}, {transform_indices = #map}]} {
    %eq3A = arith.constant 0 : i32
    %eq3A_0 = arith.cmpi eq, %arg0, %eq3A : i32
    %eq3A_1 = arith.constant 0 : i32
    %eq3A_2 = arith.cmpi eq, %arg1, %eq3A_1 : i32
    %and3A = arith.andi %eq3A_0, %eq3A_2 : i1
    %convert_element_type3A = arith.extui %and3A : i1 to i32
    %cond3A = arith.constant 0 : i32
    %cond3A_3 = arith.cmpi ne, %convert_element_type3A, %cond3A : i32
    scf.if %cond3A_3 {
      "tpu.region"() ({
        %run_scoped3A = tpu.sem_alloc : memref<!tpu.dma_semaphore, #tpu.memory_space<semaphore_mem>>
        %dma_start3A = arith.constant 0 : i32
        %dma_start3A_209 = tpu.memref_slice %arg2[%dma_start3A] : memref<128xi32, #tpu.memory_space<hbm>> -> memref<16xi32, #tpu.memory_space<hbm>>
        %dma_start3A_210 = arith.constant 0 : i32
        %dma_start3A_211 = tpu.memref_slice %arg2[%dma_start3A_210] : memref<128xi32, #tpu.memory_space<hbm>> -> memref<16xi32, #tpu.memory_space<hbm>>
        tpu.enqueue_dma source(%dma_start3A_211 : memref<16xi32, #tpu.memory_space<hbm>>) target(%arg14 : memref<16xi32, #tpu.memory_space<vmem>>) target_semaphore(%run_scoped3A : memref<!tpu.dma_semaphore, #tpu.memory_space<semaphore_mem>>)
        %dma_wait3A = arith.constant 0 : i32
        %dma_wait3A_212 = tpu.memref_slice %arg2[%dma_wait3A] : memref<128xi32, #tpu.memory_space<hbm>> -> memref<16xi32, #tpu.memory_space<hbm>>
        %dma_wait3A_213 = arith.constant 0 : i32
        %dma_wait3A_214 = tpu.memref_slice %arg2[%dma_wait3A_213] : memref<128xi32, #tpu.memory_space<hbm>> -> memref<16xi32, #tpu.memory_space<hbm>>
        tpu.wait_dma2 semaphore(%run_scoped3A : memref<!tpu.dma_semaphore, #tpu.memory_space<semaphore_mem>>) src(%dma_wait3A_214 : memref<16xi32, #tpu.memory_space<hbm>>) dst(%arg14 : memref<16xi32, #tpu.memory_space<vmem>>)
        tpu.yield
      }) : () -> ()
      "tpu.region"() ({
        %run_scoped3A = tpu.sem_alloc : memref<!tpu.dma_semaphore, #tpu.memory_space<semaphore_mem>>
        tpu.enqueue_dma source(%arg3 : memref<2048xi32, #tpu.memory_space<hbm>>) target(%arg17 : memref<2048xi32, #tpu.memory_space<vmem>>) target_semaphore(%run_scoped3A : memref<!tpu.dma_semaphore, #tpu.memory_space<semaphore_mem>>)
        tpu.wait_dma2 semaphore(%run_scoped3A : memref<!tpu.dma_semaphore, #tpu.memory_space<semaphore_mem>>) src(%arg3 : memref<2048xi32, #tpu.memory_space<hbm>>) dst(%arg17 : memref<2048xi32, #tpu.memory_space<vmem>>)
        tpu.yield
      }) : () -> ()
      "tpu.region"() ({
        %run_scoped3A = tpu.sem_alloc : memref<!tpu.dma_semaphore, #tpu.memory_space<semaphore_mem>>
        tpu.enqueue_dma source(%arg4 : memref<2048xi32, #tpu.memory_space<hbm>>) target(%arg18 : memref<2048xi32, #tpu.memory_space<vmem>>) target_semaphore(%run_scoped3A : memref<!tpu.dma_semaphore, #tpu.memory_space<semaphore_mem>>)
        tpu.wait_dma2 semaphore(%run_scoped3A : memref<!tpu.dma_semaphore, #tpu.memory_space<semaphore_mem>>) src(%arg4 : memref<2048xi32, #tpu.memory_space<hbm>>) dst(%arg18 : memref<2048xi32, #tpu.memory_space<vmem>>)
        tpu.yield
      }) : () -> ()
      "tpu.region"() ({
        %run_scoped3A = tpu.sem_alloc : memref<!tpu.dma_semaphore, #tpu.memory_space<semaphore_mem>>
        tpu.enqueue_dma source(%arg5 : memref<2048xi32, #tpu.memory_space<hbm>>) target(%arg19 : memref<2048xi32, #tpu.memory_space<vmem>>) target_semaphore(%run_scoped3A : memref<!tpu.dma_semaphore, #tpu.memory_space<semaphore_mem>>)
        tpu.wait_dma2 semaphore(%run_scoped3A : memref<!tpu.dma_semaphore, #tpu.memory_space<semaphore_mem>>) src(%arg5 : memref<2048xi32, #tpu.memory_space<hbm>>) dst(%arg19 : memref<2048xi32, #tpu.memory_space<vmem>>)
        tpu.yield
      }) : () -> ()
      "tpu.region"() ({
        %run_scoped3A = tpu.sem_alloc : memref<!tpu.dma_semaphore, #tpu.memory_space<semaphore_mem>>
        tpu.enqueue_dma source(%arg6 : memref<2048xi32, #tpu.memory_space<hbm>>) target(%arg20 : memref<2048xi32, #tpu.memory_space<vmem>>) target_semaphore(%run_scoped3A : memref<!tpu.dma_semaphore, #tpu.memory_space<semaphore_mem>>)
        tpu.wait_dma2 semaphore(%run_scoped3A : memref<!tpu.dma_semaphore, #tpu.memory_space<semaphore_mem>>) src(%arg6 : memref<2048xi32, #tpu.memory_space<hbm>>) dst(%arg20 : memref<2048xi32, #tpu.memory_space<vmem>>)
        tpu.yield
      }) : () -> ()
      "tpu.region"() ({
        %run_scoped3A = tpu.sem_alloc : memref<!tpu.dma_semaphore, #tpu.memory_space<semaphore_mem>>
        tpu.enqueue_dma source(%arg7 : memref<2048xf32, #tpu.memory_space<hbm>>) target(%arg21 : memref<2048xf32, #tpu.memory_space<vmem>>) target_semaphore(%run_scoped3A : memref<!tpu.dma_semaphore, #tpu.memory_space<semaphore_mem>>)
        tpu.wait_dma2 semaphore(%run_scoped3A : memref<!tpu.dma_semaphore, #tpu.memory_space<semaphore_mem>>) src(%arg7 : memref<2048xf32, #tpu.memory_space<hbm>>) dst(%arg21 : memref<2048xf32, #tpu.memory_space<vmem>>)
        tpu.yield
      }) : () -> ()
      "tpu.region"() ({
        %run_scoped3A = tpu.sem_alloc : memref<!tpu.dma_semaphore, #tpu.memory_space<semaphore_mem>>
        tpu.enqueue_dma source(%arg8 : memref<2048xf32, #tpu.memory_space<hbm>>) target(%arg22 : memref<2048xf32, #tpu.memory_space<vmem>>) target_semaphore(%run_scoped3A : memref<!tpu.dma_semaphore, #tpu.memory_space<semaphore_mem>>)
        tpu.wait_dma2 semaphore(%run_scoped3A : memref<!tpu.dma_semaphore, #tpu.memory_space<semaphore_mem>>) src(%arg8 : memref<2048xf32, #tpu.memory_space<hbm>>) dst(%arg22 : memref<2048xf32, #tpu.memory_space<vmem>>)
        tpu.yield
      }) : () -> ()
      %iota3A = tpu.iota {dimensions = array<i32: 0>} : vector<16xi32>
      %get3A = arith.constant 0 : index
      %get3A_4 = tpu.vector_load %arg14[%get3A] {strides = array<i32>} : memref<16xi32, #tpu.memory_space<vmem>>, vector<16xi32>,
      %add3A = arith.constant 255 : i32
      %add3A_5 = vector.broadcast %add3A : i32 to vector<16xi32>
      %add3A_6 = arith.addi %get3A_4, %add3A_5 : vector<16xi32>
      %shift_right_arithmetic3A = arith.constant 8 : i32
      %shift_right_arithmetic3A_7 = vector.broadcast %shift_right_arithmetic3A : i32 to vector<16xi32>
      %shift_right_arithmetic3A_8 = arith.shrsi %add3A_6, %shift_right_arithmetic3A_7 : vector<16xi32>
      %shift_left3A = arith.constant 8 : i32
      %shift_left3A_9 = vector.broadcast %shift_left3A : i32 to vector<16xi32>
      %shift_left3A_10 = arith.shli %shift_right_arithmetic3A_8, %shift_left3A_9 : vector<16xi32>
      %lt3A = arith.constant 8 : i32
      %lt3A_11 = vector.broadcast %lt3A : i32 to vector<16xi32>
      %lt3A_12 = arith.cmpi slt, %iota3A, %lt3A_11 : vector<16xi32>
      %jit3A = arith.constant 0 : i32
      %broadcast_in_dim3A = vector.broadcast %jit3A : i32 to vector<16xi32>
      %select_n3A = arith.select %lt3A_12, %shift_left3A_10, %broadcast_in_dim3A : vector<16xi1>, vector<16xi32>
      %swap3A = arith.constant 0 : index
      %swap3A_13 = tpu.vector_load %arg16[%swap3A] {strides = array<i32>} : memref<16xi32, #tpu.memory_space<vmem>>, vector<16xi32>,
      tpu.vector_store %arg16[%swap3A], %select_n3A {strides = array<i32>} : memref<16xi32, #tpu.memory_space<vmem>>, vector<16xi32>,
      %broadcast_in_dim3A_14 = arith.constant 0 : i32
      %broadcast_in_dim3A_15 = vector.broadcast %broadcast_in_dim3A_14 : i32 to vector<16xi32>
      %sub3A = arith.constant 1 : i32
      %sub3A_16 = vector.broadcast %sub3A : i32 to vector<16xi32>
      %sub3A_17 = arith.subi %iota3A, %sub3A_16 : vector<16xi32>
      %max3A = arith.constant 0 : i32
      %max3A_18 = vector.broadcast %max3A : i32 to vector<16xi32>
      %max3A_19 = arith.maxsi %sub3A_17, %max3A_18 : vector<16xi32>
      %gather3A = tpu.vector_load_idx %arg16[%max3A_19] : memref<16xi32, #tpu.memory_space<vmem>>[vector<16xi32>], vector<16xi32>,
      %ge3A = arith.constant 1 : i32
      %ge3A_20 = vector.broadcast %ge3A : i32 to vector<16xi32>
      %ge3A_21 = arith.cmpi sge, %iota3A, %ge3A_20 : vector<16xi32>
      %jit3A_22 = arith.constant 0 : i32
      %broadcast_in_dim3A_23 = vector.broadcast %jit3A_22 : i32 to vector<16xi32>
      %select_n3A_24 = arith.select %ge3A_21, %gather3A, %broadcast_in_dim3A_23 : vector<16xi1>, vector<16xi32>
      %add3A_25 = arith.addi %broadcast_in_dim3A_15, %select_n3A_24 : vector<16xi32>
      %sub3A_26 = arith.constant 2 : i32
      %sub3A_27 = vector.broadcast %sub3A_26 : i32 to vector<16xi32>
      %sub3A_28 = arith.subi %iota3A, %sub3A_27 : vector<16xi32>
      %max3A_29 = arith.constant 0 : i32
      %max3A_30 = vector.broadcast %max3A_29 : i32 to vector<16xi32>
      %max3A_31 = arith.maxsi %sub3A_28, %max3A_30 : vector<16xi32>
      %gather3A_32 = tpu.vector_load_idx %arg16[%max3A_31] : memref<16xi32, #tpu.memory_space<vmem>>[vector<16xi32>], vector<16xi32>,
      %ge3A_33 = arith.constant 2 : i32
      %ge3A_34 = vector.broadcast %ge3A_33 : i32 to vector<16xi32>
      %ge3A_35 = arith.cmpi sge, %iota3A, %ge3A_34 : vector<16xi32>
      %jit3A_36 = arith.constant 0 : i32
      %broadcast_in_dim3A_37 = vector.broadcast %jit3A_36 : i32 to vector<16xi32>
      %select_n3A_38 = arith.select %ge3A_35, %gather3A_32, %broadcast_in_dim3A_37 : vector<16xi1>, vector<16xi32>
      %add3A_39 = arith.addi %add3A_25, %select_n3A_38 : vector<16xi32>
      %sub3A_40 = arith.constant 3 : i32
      %sub3A_41 = vector.broadcast %sub3A_40 : i32 to vector<16xi32>
      %sub3A_42 = arith.subi %iota3A, %sub3A_41 : vector<16xi32>
      %max3A_43 = arith.constant 0 : i32
      %max3A_44 = vector.broadcast %max3A_43 : i32 to vector<16xi32>
      %max3A_45 = arith.maxsi %sub3A_42, %max3A_44 : vector<16xi32>
      %gather3A_46 = tpu.vector_load_idx %arg16[%max3A_45] : memref<16xi32, #tpu.memory_space<vmem>>[vector<16xi32>], vector<16xi32>,
      %ge3A_47 = arith.constant 3 : i32
      %ge3A_48 = vector.broadcast %ge3A_47 : i32 to vector<16xi32>
      %ge3A_49 = arith.cmpi sge, %iota3A, %ge3A_48 : vector<16xi32>
      %jit3A_50 = arith.constant 0 : i32
      %broadcast_in_dim3A_51 = vector.broadcast %jit3A_50 : i32 to vector<16xi32>
      %select_n3A_52 = arith.select %ge3A_49, %gather3A_46, %broadcast_in_dim3A_51 : vector<16xi1>, vector<16xi32>
      %add3A_53 = arith.addi %add3A_39, %select_n3A_52 : vector<16xi32>
      %sub3A_54 = arith.constant 4 : i32
      %sub3A_55 = vector.broadcast %sub3A_54 : i32 to vector<16xi32>
      %sub3A_56 = arith.subi %iota3A, %sub3A_55 : vector<16xi32>
      %max3A_57 = arith.constant 0 : i32
      %max3A_58 = vector.broadcast %max3A_57 : i32 to vector<16xi32>
      %max3A_59 = arith.maxsi %sub3A_56, %max3A_58 : vector<16xi32>
      %gather3A_60 = tpu.vector_load_idx %arg16[%max3A_59] : memref<16xi32, #tpu.memory_space<vmem>>[vector<16xi32>], vector<16xi32>,
      %ge3A_61 = arith.constant 4 : i32
      %ge3A_62 = vector.broadcast %ge3A_61 : i32 to vector<16xi32>
      %ge3A_63 = arith.cmpi sge, %iota3A, %ge3A_62 : vector<16xi32>
      %jit3A_64 = arith.constant 0 : i32
      %broadcast_in_dim3A_65 = vector.broadcast %jit3A_64 : i32 to vector<16xi32>
      %select_n3A_66 = arith.select %ge3A_63, %gather3A_60, %broadcast_in_dim3A_65 : vector<16xi1>, vector<16xi32>
      %add3A_67 = arith.addi %add3A_53, %select_n3A_66 : vector<16xi32>
      %sub3A_68 = arith.constant 5 : i32
      %sub3A_69 = vector.broadcast %sub3A_68 : i32 to vector<16xi32>
      %sub3A_70 = arith.subi %iota3A, %sub3A_69 : vector<16xi32>
      %max3A_71 = arith.constant 0 : i32
      %max3A_72 = vector.broadcast %max3A_71 : i32 to vector<16xi32>
      %max3A_73 = arith.maxsi %sub3A_70, %max3A_72 : vector<16xi32>
      %gather3A_74 = tpu.vector_load_idx %arg16[%max3A_73] : memref<16xi32, #tpu.memory_space<vmem>>[vector<16xi32>], vector<16xi32>,
      %ge3A_75 = arith.constant 5 : i32
      %ge3A_76 = vector.broadcast %ge3A_75 : i32 to vector<16xi32>
      %ge3A_77 = arith.cmpi sge, %iota3A, %ge3A_76 : vector<16xi32>
      %jit3A_78 = arith.constant 0 : i32
      %broadcast_in_dim3A_79 = vector.broadcast %jit3A_78 : i32 to vector<16xi32>
      %select_n3A_80 = arith.select %ge3A_77, %gather3A_74, %broadcast_in_dim3A_79 : vector<16xi1>, vector<16xi32>
      %add3A_81 = arith.addi %add3A_67, %select_n3A_80 : vector<16xi32>
      %sub3A_82 = arith.constant 6 : i32
      %sub3A_83 = vector.broadcast %sub3A_82 : i32 to vector<16xi32>
      %sub3A_84 = arith.subi %iota3A, %sub3A_83 : vector<16xi32>
      %max3A_85 = arith.constant 0 : i32
      %max3A_86 = vector.broadcast %max3A_85 : i32 to vector<16xi32>
      %max3A_87 = arith.maxsi %sub3A_84, %max3A_86 : vector<16xi32>
      %gather3A_88 = tpu.vector_load_idx %arg16[%max3A_87] : memref<16xi32, #tpu.memory_space<vmem>>[vector<16xi32>], vector<16xi32>,
      %ge3A_89 = arith.constant 6 : i32
      %ge3A_90 = vector.broadcast %ge3A_89 : i32 to vector<16xi32>
      %ge3A_91 = arith.cmpi sge, %iota3A, %ge3A_90 : vector<16xi32>
      %jit3A_92 = arith.constant 0 : i32
      %broadcast_in_dim3A_93 = vector.broadcast %jit3A_92 : i32 to vector<16xi32>
      %select_n3A_94 = arith.select %ge3A_91, %gather3A_88, %broadcast_in_dim3A_93 : vector<16xi1>, vector<16xi32>
      %add3A_95 = arith.addi %add3A_81, %select_n3A_94 : vector<16xi32>
      %sub3A_96 = arith.constant 7 : i32
      %sub3A_97 = vector.broadcast %sub3A_96 : i32 to vector<16xi32>
      %sub3A_98 = arith.subi %iota3A, %sub3A_97 : vector<16xi32>
      %max3A_99 = arith.constant 0 : i32
      %max3A_100 = vector.broadcast %max3A_99 : i32 to vector<16xi32>
      %max3A_101 = arith.maxsi %sub3A_98, %max3A_100 : vector<16xi32>
      %gather3A_102 = tpu.vector_load_idx %arg16[%max3A_101] : memref<16xi32, #tpu.memory_space<vmem>>[vector<16xi32>], vector<16xi32>,
      %ge3A_103 = arith.constant 7 : i32
      %ge3A_104 = vector.broadcast %ge3A_103 : i32 to vector<16xi32>
      %ge3A_105 = arith.cmpi sge, %iota3A, %ge3A_104 : vector<16xi32>
      %jit3A_106 = arith.constant 0 : i32
      %broadcast_in_dim3A_107 = vector.broadcast %jit3A_106 : i32 to vector<16xi32>
      %select_n3A_108 = arith.select %ge3A_105, %gather3A_102, %broadcast_in_dim3A_107 : vector<16xi1>, vector<16xi32>
      %add3A_109 = arith.addi %add3A_95, %select_n3A_108 : vector<16xi32>
      %swap3A_110 = arith.constant 0 : index
      %swap3A_111 = tpu.vector_load %arg15[%swap3A_110] {strides = array<i32>} : memref<16xi32, #tpu.memory_space<vmem>>, vector<16xi32>,
      tpu.vector_store %arg15[%swap3A_110], %add3A_109 {strides = array<i32>} : memref<16xi32, #tpu.memory_space<vmem>>, vector<16xi32>,
      %broadcast_in_dim3A_112 = arith.constant 0 : i32
      %broadcast_in_dim3A_113 = vector.broadcast %broadcast_in_dim3A_112 : i32 to vector<16xi32>
      %mul3A = arith.constant 256 : i32
      %mul3A_114 = vector.broadcast %mul3A : i32 to vector<16xi32>
      %mul3A_115 = arith.muli %iota3A, %mul3A_114 : vector<16xi32>
      %add3A_116 = arith.constant 16 : i32
      %add3A_117 = vector.broadcast %add3A_116 : i32 to vector<16xi32>
      %add3A_118 = arith.addi %iota3A, %add3A_117 : vector<16xi32>
      %mul3A_119 = arith.constant 256 : i32
      %mul3A_120 = vector.broadcast %mul3A_119 : i32 to vector<16xi32>
      %mul3A_121 = arith.muli %add3A_118, %mul3A_120 : vector<16xi32>
      %broadcast_in_dim3A_122 = arith.constant 1 : i32
      %broadcast_in_dim3A_123 = vector.broadcast %broadcast_in_dim3A_122 : i32 to vector<16xi32>
      %gather3A_124 = tpu.vector_load_idx %arg15[%broadcast_in_dim3A_123] : memref<16xi32, #tpu.memory_space<vmem>>[vector<16xi32>], vector<16xi32>,
      %ge3A_125 = arith.cmpi sge, %mul3A_115, %gather3A_124 : vector<16xi32>
      %convert_element_type3A_126 = arith.extui %ge3A_125 : vector<16xi1> to vector<16xi32>
      %add3A_127 = arith.addi %broadcast_in_dim3A_113, %convert_element_type3A_126 : vector<16xi32>
      %ge3A_128 = arith.cmpi sge, %mul3A_121, %gather3A_124 : vector<16xi32>
      %convert_element_type3A_129 = arith.extui %ge3A_128 : vector<16xi1> to vector<16xi32>
      %add3A_130 = arith.addi %broadcast_in_dim3A_113, %convert_element_type3A_129 : vector<16xi32>
      %broadcast_in_dim3A_131 = arith.constant 2 : i32
      %broadcast_in_dim3A_132 = vector.broadcast %broadcast_in_dim3A_131 : i32 to vector<16xi32>
      %gather3A_133 = tpu.vector_load_idx %arg15[%broadcast_in_dim3A_132] : memref<16xi32, #tpu.memory_space<vmem>>[vector<16xi32>], vector<16xi32>,
      %ge3A_134 = arith.cmpi sge, %mul3A_115, %gather3A_133 : vector<16xi32>
      %convert_element_type3A_135 = arith.extui %ge3A_134 : vector<16xi1> to vector<16xi32>
      %add3A_136 = arith.addi %add3A_127, %convert_element_type3A_135 : vector<16xi32>
      %ge3A_137 = arith.cmpi sge, %mul3A_121, %gather3A_133 : vector<16xi32>
      %convert_element_type3A_138 = arith.extui %ge3A_137 : vector<16xi1> to vector<16xi32>
      %add3A_139 = arith.addi %add3A_130, %convert_element_type3A_138 : vector<16xi32>
      %broadcast_in_dim3A_140 = arith.constant 3 : i32
      %broadcast_in_dim3A_141 = vector.broadcast %broadcast_in_dim3A_140 : i32 to vector<16xi32>
      %gather3A_142 = tpu.vector_load_idx %arg15[%broadcast_in_dim3A_141] : memref<16xi32, #tpu.memory_space<vmem>>[vector<16xi32>], vector<16xi32>,
      %ge3A_143 = arith.cmpi sge, %mul3A_115, %gather3A_142 : vector<16xi32>
      %convert_element_type3A_144 = arith.extui %ge3A_143 : vector<16xi1> to vector<16xi32>
      %add3A_145 = arith.addi %add3A_136, %convert_element_type3A_144 : vector<16xi32>
      %ge3A_146 = arith.cmpi sge, %mul3A_121, %gather3A_142 : vector<16xi32>
      %convert_element_type3A_147 = arith.extui %ge3A_146 : vector<16xi1> to vector<16xi32>
      %add3A_148 = arith.addi %add3A_139, %convert_element_type3A_147 : vector<16xi32>
      %broadcast_in_dim3A_149 = arith.constant 4 : i32
      %broadcast_in_dim3A_150 = vector.broadcast %broadcast_in_dim3A_149 : i32 to vector<16xi32>
      %gather3A_151 = tpu.vector_load_idx %arg15[%broadcast_in_dim3A_150] : memref<16xi32, #tpu.memory_space<vmem>>[vector<16xi32>], vector<16xi32>,
      %ge3A_152 = arith.cmpi sge, %mul3A_115, %gather3A_151 : vector<16xi32>
      %convert_element_type3A_153 = arith.extui %ge3A_152 : vector<16xi1> to vector<16xi32>
      %add3A_154 = arith.addi %add3A_145, %convert_element_type3A_153 : vector<16xi32>
      %ge3A_155 = arith.cmpi sge, %mul3A_121, %gather3A_151 : vector<16xi32>
      %convert_element_type3A_156 = arith.extui %ge3A_155 : vector<16xi1> to vector<16xi32>
      %add3A_157 = arith.addi %add3A_148, %convert_element_type3A_156 : vector<16xi32>
      %broadcast_in_dim3A_158 = arith.constant 5 : i32
      %broadcast_in_dim3A_159 = vector.broadcast %broadcast_in_dim3A_158 : i32 to vector<16xi32>
      %gather3A_160 = tpu.vector_load_idx %arg15[%broadcast_in_dim3A_159] : memref<16xi32, #tpu.memory_space<vmem>>[vector<16xi32>], vector<16xi32>,
      %ge3A_161 = arith.cmpi sge, %mul3A_115, %gather3A_160 : vector<16xi32>
      %convert_element_type3A_162 = arith.extui %ge3A_161 : vector<16xi1> to vector<16xi32>
      %add3A_163 = arith.addi %add3A_154, %convert_element_type3A_162 : vector<16xi32>
      %ge3A_164 = arith.cmpi sge, %mul3A_121, %gather3A_160 : vector<16xi32>
      %convert_element_type3A_165 = arith.extui %ge3A_164 : vector<16xi1> to vector<16xi32>
      %add3A_166 = arith.addi %add3A_157, %convert_element_type3A_165 : vector<16xi32>
      %broadcast_in_dim3A_167 = arith.constant 6 : i32
      %broadcast_in_dim3A_168 = vector.broadcast %broadcast_in_dim3A_167 : i32 to vector<16xi32>
      %gather3A_169 = tpu.vector_load_idx %arg15[%broadcast_in_dim3A_168] : memref<16xi32, #tpu.memory_space<vmem>>[vector<16xi32>], vector<16xi32>,
      %ge3A_170 = arith.cmpi sge, %mul3A_115, %gather3A_169 : vector<16xi32>
      %convert_element_type3A_171 = arith.extui %ge3A_170 : vector<16xi1> to vector<16xi32>
      %add3A_172 = arith.addi %add3A_163, %convert_element_type3A_171 : vector<16xi32>
      %ge3A_173 = arith.cmpi sge, %mul3A_121, %gather3A_169 : vector<16xi32>
      %convert_element_type3A_174 = arith.extui %ge3A_173 : vector<16xi1> to vector<16xi32>
      %add3A_175 = arith.addi %add3A_166, %convert_element_type3A_174 : vector<16xi32>
      %broadcast_in_dim3A_176 = arith.constant 7 : i32
      %broadcast_in_dim3A_177 = vector.broadcast %broadcast_in_dim3A_176 : i32 to vector<16xi32>
      %gather3A_178 = tpu.vector_load_idx %arg15[%broadcast_in_dim3A_177] : memref<16xi32, #tpu.memory_space<vmem>>[vector<16xi32>], vector<16xi32>,
      %ge3A_179 = arith.cmpi sge, %mul3A_115, %gather3A_178 : vector<16xi32>
      %convert_element_type3A_180 = arith.extui %ge3A_179 : vector<16xi1> to vector<16xi32>
      %add3A_181 = arith.addi %add3A_172, %convert_element_type3A_180 : vector<16xi32>
      %ge3A_182 = arith.cmpi sge, %mul3A_121, %gather3A_178 : vector<16xi32>
      %convert_element_type3A_183 = arith.extui %ge3A_182 : vector<16xi1> to vector<16xi32>
      %add3A_184 = arith.addi %add3A_175, %convert_element_type3A_183 : vector<16xi32>
      %jit3A_185 = arith.constant 0 : i32
      %jit3A_186 = arith.constant 7 : i32
      %max3A_187 = vector.broadcast %jit3A_185 : i32 to vector<16xi32>
      %max3A_188 = arith.maxsi %max3A_187, %add3A_181 : vector<16xi32>
      %min3A = vector.broadcast %jit3A_186 : i32 to vector<16xi32>
      %min3A_189 = arith.minsi %min3A, %max3A_188 : vector<16xi32>
      %swap3A_190 = arith.constant 0 : index
      %swap3A_191 = tpu.vector_load %arg27[%swap3A_190] {strides = array<i32>} : memref<32xi32, #tpu.memory_space<vmem>>, vector<16xi32>,
      tpu.vector_store %arg27[%swap3A_190], %min3A_189 {strides = array<i32>} : memref<32xi32, #tpu.memory_space<vmem>>, vector<16xi32>,
      %jit3A_192 = arith.constant 0 : i32
      %jit3A_193 = arith.constant 7 : i32
      %max3A_194 = vector.broadcast %jit3A_192 : i32 to vector<16xi32>
      %max3A_195 = arith.maxsi %max3A_194, %add3A_184 : vector<16xi32>
      %min3A_196 = vector.broadcast %jit3A_193 : i32 to vector<16xi32>
      %min3A_197 = arith.minsi %min3A_196, %max3A_195 : vector<16xi32>
      %swap3A_198 = arith.constant 16 : index
      %swap3A_199 = tpu.vector_load %arg27[%swap3A_198] {strides = array<i32>} : memref<32xi32, #tpu.memory_space<vmem>>, vector<16xi32>,
      tpu.vector_store %arg27[%swap3A_198], %min3A_197 {strides = array<i32>} : memref<32xi32, #tpu.memory_space<vmem>>, vector<16xi32>,
      "tpu.region"() ({
        %run_scoped3A = tpu.sem_alloc : memref<!tpu.dma_semaphore, #tpu.memory_space<semaphore_mem>>
        tpu.enqueue_dma source(%arg27 : memref<32xi32, #tpu.memory_space<vmem>>) target(%arg13 : memref<32xi32, #tpu.memory_space<hbm>>) target_semaphore(%run_scoped3A : memref<!tpu.dma_semaphore, #tpu.memory_space<semaphore_mem>>)
        tpu.wait_dma2 semaphore(%run_scoped3A : memref<!tpu.dma_semaphore, #tpu.memory_space<semaphore_mem>>) src(%arg27 : memref<32xi32, #tpu.memory_space<vmem>>) dst(%arg13 : memref<32xi32, #tpu.memory_space<hbm>>)
        tpu.yield
      }) : () -> ()
      %scan3A = arith.constant 0 : i32
      %scan3A_200 = arith.constant 384 : i32
      %scan3A_201 = arith.addi %scan3A, %scan3A_200 : i32
      %scan3A_202 = arith.constant 1 : i32
      scf.for %scan3A_209 = %scan3A to %scan3A_201 step %scan3A_202  : i32 {
        %mul3A_210 = arith.constant 16 : i32
        %mul3A_211 = arith.muli %scan3A_209, %mul3A_210 : i32
        %swap3A_212 = arith.index_cast %mul3A_211 : i32 to index
        %swap3A_213 = tpu.vector_load %arg23[%swap3A_212] {strides = array<i32>} : memref<6144xi32, #tpu.memory_space<vmem>>, vector<16xi32>,
        tpu.vector_store %arg23[%swap3A_212], %broadcast_in_dim3A_113 {strides = array<i32>} : memref<6144xi32, #tpu.memory_space<vmem>>, vector<16xi32>,
        %broadcast_in_dim3A_214 = arith.constant 0.000000e+00 : f32
        %broadcast_in_dim3A_215 = vector.broadcast %broadcast_in_dim3A_214 : f32 to vector<16xf32>
        %mul3A_216 = arith.constant 16 : i32
        %mul3A_217 = arith.muli %scan3A_209, %mul3A_216 : i32
        %swap3A_218 = arith.index_cast %mul3A_217 : i32 to index
        %swap3A_219 = tpu.vector_load %arg24[%swap3A_218] {strides = array<i32>} : memref<6144xf32, #tpu.memory_space<vmem>>, vector<16xf32>,
        tpu.vector_store %arg24[%swap3A_218], %broadcast_in_dim3A_215 {strides = array<i32>} : memref<6144xf32, #tpu.memory_space<vmem>>, vector<16xf32>,
      }
      %scan3A_203 = arith.constant 384 : i32
      %scan3A_204 = arith.constant 0 : i32
      %scan3A_205 = arith.constant 128 : i32
      %scan3A_206 = arith.addi %scan3A_204, %scan3A_205 : i32
      %scan3A_207 = arith.constant 1 : i32
      scf.for %scan3A_209 = %scan3A_204 to %scan3A_206 step %scan3A_207  : i32 {
        %mul3A_210 = arith.constant 16 : i32
        %mul3A_211 = arith.muli %scan3A_209, %mul3A_210 : i32
        %add3A_212 = vector.broadcast %mul3A_211 : i32 to vector<16xi32>
        %add3A_213 = arith.addi %add3A_212, %iota3A : vector<16xi32>
        %get3A_214 = arith.index_cast %mul3A_211 : i32 to index
        %get3A_215 = tpu.vector_load %arg17[%get3A_214] {strides = array<i32>} : memref<2048xi32, #tpu.memory_space<vmem>>, vector<16xi32>,
        %gather3A_216 = tpu.vector_load_idx %arg15[%get3A_215] : memref<16xi32, #tpu.memory_space<vmem>>[vector<16xi32>], vector<16xi32>,
        %get3A_217 = arith.index_cast %mul3A_211 : i32 to index
        %get3A_218 = tpu.vector_load %arg19[%get3A_217] {strides = array<i32>} : memref<2048xi32, #tpu.memory_space<vmem>>, vector<16xi32>,
        %add3A_219 = arith.addi %gather3A_216, %get3A_218 : vector<16xi32>
        %swap3A_220 = arith.index_cast %mul3A_211 : i32 to index
        %swap3A_221 = tpu.vector_load %arg25[%swap3A_220] {strides = array<i32>} : memref<2048xi32, #tpu.memory_space<vmem>>, vector<16xi32>,
        tpu.vector_store %arg25[%swap3A_220], %add3A_219 {strides = array<i32>} : memref<2048xi32, #tpu.memory_space<vmem>>, vector<16xi32>,
        tpu.vector_store_idx %arg23[%add3A_219], %add3A_213 : memref<6144xi32, #tpu.memory_space<vmem>>[vector<16xi32>], vector<16xi32>,
        %get3A_222 = arith.index_cast %mul3A_211 : i32 to index
        %get3A_223 = tpu.vector_load %arg21[%get3A_222] {strides = array<i32>} : memref<2048xf32, #tpu.memory_space<vmem>>, vector<16xf32>,
        tpu.vector_store_idx %arg24[%add3A_219], %get3A_223 : memref<6144xf32, #tpu.memory_space<vmem>>[vector<16xi32>], vector<16xf32>,
        %get3A_224 = arith.index_cast %mul3A_211 : i32 to index
        %get3A_225 = tpu.vector_load %arg18[%get3A_224] {strides = array<i32>} : memref<2048xi32, #tpu.memory_space<vmem>>, vector<16xi32>,
        %gather3A_226 = tpu.vector_load_idx %arg15[%get3A_225] : memref<16xi32, #tpu.memory_space<vmem>>[vector<16xi32>], vector<16xi32>,
        %get3A_227 = arith.index_cast %mul3A_211 : i32 to index
        %get3A_228 = tpu.vector_load %arg20[%get3A_227] {strides = array<i32>} : memref<2048xi32, #tpu.memory_space<vmem>>, vector<16xi32>,
        %add3A_229 = arith.addi %gather3A_226, %get3A_228 : vector<16xi32>
        %swap3A_230 = arith.index_cast %mul3A_211 : i32 to index
        %swap3A_231 = tpu.vector_load %arg26[%swap3A_230] {strides = array<i32>} : memref<2048xi32, #tpu.memory_space<vmem>>, vector<16xi32>,
        tpu.vector_store %arg26[%swap3A_230], %add3A_229 {strides = array<i32>} : memref<2048xi32, #tpu.memory_space<vmem>>, vector<16xi32>,
        tpu.vector_store_idx %arg23[%add3A_229], %add3A_213 : memref<6144xi32, #tpu.memory_space<vmem>>[vector<16xi32>], vector<16xi32>,
        %get3A_232 = arith.index_cast %mul3A_211 : i32 to index
        %get3A_233 = tpu.vector_load %arg22[%get3A_232] {strides = array<i32>} : memref<2048xf32, #tpu.memory_space<vmem>>, vector<16xf32>,
        tpu.vector_store_idx %arg24[%add3A_229], %get3A_233 : memref<6144xf32, #tpu.memory_space<vmem>>[vector<16xi32>], vector<16xf32>,
      }
      %scan3A_208 = arith.constant 128 : i32
      "tpu.region"() ({
        %run_scoped3A = tpu.sem_alloc : memref<!tpu.dma_semaphore, #tpu.memory_space<semaphore_mem>>
        tpu.enqueue_dma source(%arg23 : memref<6144xi32, #tpu.memory_space<vmem>>) target(%arg9 : memref<6144xi32, #tpu.memory_space<hbm>>) target_semaphore(%run_scoped3A : memref<!tpu.dma_semaphore, #tpu.memory_space<semaphore_mem>>)
        tpu.wait_dma2 semaphore(%run_scoped3A : memref<!tpu.dma_semaphore, #tpu.memory_space<semaphore_mem>>) src(%arg23 : memref<6144xi32, #tpu.memory_space<vmem>>) dst(%arg9 : memref<6144xi32, #tpu.memory_space<hbm>>)
        tpu.yield
      }) : () -> ()
      "tpu.region"() ({
        %run_scoped3A = tpu.sem_alloc : memref<!tpu.dma_semaphore, #tpu.memory_space<semaphore_mem>>
        tpu.enqueue_dma source(%arg24 : memref<6144xf32, #tpu.memory_space<vmem>>) target(%arg10 : memref<6144xf32, #tpu.memory_space<hbm>>) target_semaphore(%run_scoped3A : memref<!tpu.dma_semaphore, #tpu.memory_space<semaphore_mem>>)
        tpu.wait_dma2 semaphore(%run_scoped3A : memref<!tpu.dma_semaphore, #tpu.memory_space<semaphore_mem>>) src(%arg24 : memref<6144xf32, #tpu.memory_space<vmem>>) dst(%arg10 : memref<6144xf32, #tpu.memory_space<hbm>>)
        tpu.yield
      }) : () -> ()
      "tpu.region"() ({
        %run_scoped3A = tpu.sem_alloc : memref<!tpu.dma_semaphore, #tpu.memory_space<semaphore_mem>>
        tpu.enqueue_dma source(%arg25 : memref<2048xi32, #tpu.memory_space<vmem>>) target(%arg11 : memref<2048xi32, #tpu.memory_space<hbm>>) target_semaphore(%run_scoped3A : memref<!tpu.dma_semaphore, #tpu.memory_space<semaphore_mem>>)
        tpu.wait_dma2 semaphore(%run_scoped3A : memref<!tpu.dma_semaphore, #tpu.memory_space<semaphore_mem>>) src(%arg25 : memref<2048xi32, #tpu.memory_space<vmem>>) dst(%arg11 : memref<2048xi32, #tpu.memory_space<hbm>>)
        tpu.yield
      }) : () -> ()
      "tpu.region"() ({
        %run_scoped3A = tpu.sem_alloc : memref<!tpu.dma_semaphore, #tpu.memory_space<semaphore_mem>>
        tpu.enqueue_dma source(%arg26 : memref<2048xi32, #tpu.memory_space<vmem>>) target(%arg12 : memref<2048xi32, #tpu.memory_space<hbm>>) target_semaphore(%run_scoped3A : memref<!tpu.dma_semaphore, #tpu.memory_space<semaphore_mem>>)
        tpu.wait_dma2 semaphore(%run_scoped3A : memref<!tpu.dma_semaphore, #tpu.memory_space<semaphore_mem>>) src(%arg26 : memref<2048xi32, #tpu.memory_space<vmem>>) dst(%arg12 : memref<2048xi32, #tpu.memory_space<hbm>>)
        tpu.yield
      }) : () -> ()
    } else {
    }
    return
  }
}

module attributes {stable_mosaic.version = 14 : i64} {
  func.func @_router_body(%arg0: i32, %arg1: memref<256x8xf32, #tpu.memory_space<vmem>>, %arg2: memref<1x1x256xi32, #tpu.memory_space<vmem>>, %arg3: memref<1x1x256xi32, #tpu.memory_space<vmem>>, %arg4: memref<1x1x256xi32, #tpu.memory_space<vmem>>, %arg5: memref<1x1x256xi32, #tpu.memory_space<vmem>>, %arg6: memref<1x1x256xf32, #tpu.memory_space<vmem>>, %arg7: memref<1x1x256xf32, #tpu.memory_space<vmem>>, %arg8: memref<1x128xi32, #tpu.memory_space<vmem>>, %arg9: memref<1x128xf32, #tpu.memory_space<vmem>>) attributes {dimension_semantics = [#tpu.dimension_semantics<arbitrary>], iteration_bounds = array<i64: 8>, scalar_prefetch = 0 : i64, scratch_operands = 1 : i64, tpu.core_type = #tpu.core_type<tc>, window_params = [{transform_indices = @transform_0, window_bounds = array<i64: 256, 8>}, {transform_indices = @transform_1, window_bounds = array<i64: 1, 1, 256>}, {transform_indices = @transform_2, window_bounds = array<i64: 1, 1, 256>}, {transform_indices = @transform_3, window_bounds = array<i64: 1, 1, 256>}, {transform_indices = @transform_4, window_bounds = array<i64: 1, 1, 256>}, {transform_indices = @transform_5, window_bounds = array<i64: 1, 1, 256>}, {transform_indices = @transform_6, window_bounds = array<i64: 1, 1, 256>}, {pipeline_mode = #tpu.pipeline_mode<synchronous>, transform_indices = @transform_7, window_bounds = array<i64: 1, 128>}]} {
    %get3A = arith.constant 0 : index
    %get3A_0 = arith.constant 0 : index
    %get3A_1 = vector.load %arg1[%get3A, %get3A_0] : memref<256x8xf32, #tpu.memory_space<vmem>>, vector<256x8xf32>
    %reduce_max3A = arith.constant dense<0xFF800000> : vector<256xf32>
    %reduce_max3A_2 = vector.multi_reduction <maximumf>, %get3A_1, %reduce_max3A [1] : vector<256x8xf32> to vector<256xf32>
    %broadcast_in_dim3A = vector.shape_cast %reduce_max3A_2 : vector<256xf32> to vector<256x1xf32>
    %sub3A = vector.broadcast %broadcast_in_dim3A : vector<256x1xf32> to vector<256x8xf32>
    %sub3A_3 = arith.subf %get3A_1, %sub3A : vector<256x8xf32>
    %exp3A = math.exp %sub3A_3 : vector<256x8xf32>
    %reduce_sum3A = arith.constant dense<0.000000e+00> : vector<256xf32>
    %reduce_sum3A_4 = vector.multi_reduction <add>, %exp3A, %reduce_sum3A [1] : vector<256x8xf32> to vector<256xf32>
    %broadcast_in_dim3A_5 = vector.shape_cast %reduce_sum3A_4 : vector<256xf32> to vector<256x1xf32>
    %div3A = vector.broadcast %broadcast_in_dim3A_5 : vector<256x1xf32> to vector<256x8xf32>
    %div3A_6 = arith.divf %exp3A, %div3A : vector<256x8xf32>
    %iota3A = tpu.iota {dimensions = array<i32: 1>} : vector<256x8xi32>
    %reduce_max3A_7 = arith.constant dense<0xFF800000> : vector<256xf32>
    %reduce_max3A_8 = vector.multi_reduction <maximumf>, %div3A_6, %reduce_max3A_7 [1] : vector<256x8xf32> to vector<256xf32>
    %broadcast_in_dim3A_9 = vector.shape_cast %reduce_max3A_8 : vector<256xf32> to vector<256x1xf32>
    %eq3A = vector.broadcast %broadcast_in_dim3A_9 : vector<256x1xf32> to vector<256x8xf32>
    %eq3A_10 = arith.cmpf oeq, %div3A_6, %eq3A : vector<256x8xf32>
    %jit3A = arith.constant 8 : i32
    %broadcast_in_dim3A_11 = vector.broadcast %jit3A : i32 to vector<256x8xi32>
    %select_n3A = arith.select %eq3A_10, %iota3A, %broadcast_in_dim3A_11 : vector<256x8xi1>, vector<256x8xi32>
    %reduce_min3A = arith.constant dense<2147483647> : vector<256xi32>
    %reduce_min3A_12 = vector.multi_reduction <minsi>, %select_n3A, %reduce_min3A [1] : vector<256x8xi32> to vector<256xi32>
    %broadcast_in_dim3A_13 = vector.shape_cast %reduce_min3A_12 : vector<256xi32> to vector<256x1xi32>
    %eq3A_14 = vector.broadcast %broadcast_in_dim3A_13 : vector<256x1xi32> to vector<256x8xi32>
    %eq3A_15 = arith.cmpi eq, %iota3A, %eq3A_14 : vector<256x8xi32>
    %jit3A_16 = arith.constant -1.000000e+00 : f32
    %broadcast_in_dim3A_17 = vector.broadcast %jit3A_16 : f32 to vector<256x8xf32>
    %select_n3A_18 = arith.select %eq3A_15, %broadcast_in_dim3A_17, %div3A_6 : vector<256x8xi1>, vector<256x8xf32>
    %reduce_max3A_19 = arith.constant dense<0xFF800000> : vector<256xf32>
    %reduce_max3A_20 = vector.multi_reduction <maximumf>, %select_n3A_18, %reduce_max3A_19 [1] : vector<256x8xf32> to vector<256xf32>
    %broadcast_in_dim3A_21 = vector.shape_cast %reduce_max3A_20 : vector<256xf32> to vector<256x1xf32>
    %eq3A_22 = vector.broadcast %broadcast_in_dim3A_21 : vector<256x1xf32> to vector<256x8xf32>
    %eq3A_23 = arith.cmpf oeq, %select_n3A_18, %eq3A_22 : vector<256x8xf32>
    %jit3A_24 = arith.constant 8 : i32
    %broadcast_in_dim3A_25 = vector.broadcast %jit3A_24 : i32 to vector<256x8xi32>
    %select_n3A_26 = arith.select %eq3A_23, %iota3A, %broadcast_in_dim3A_25 : vector<256x8xi1>, vector<256x8xi32>
    %reduce_min3A_27 = arith.constant dense<2147483647> : vector<256xi32>
    %reduce_min3A_28 = vector.multi_reduction <minsi>, %select_n3A_26, %reduce_min3A_27 [1] : vector<256x8xi32> to vector<256xi32>
    %add3A = arith.addf %reduce_max3A_8, %reduce_max3A_20 : vector<256xf32>
    %iota3A_29 = tpu.iota {dimensions = array<i32: 1>} : vector<256x128xi32>
    %broadcast_in_dim3A_30 = vector.shape_cast %reduce_min3A_12 : vector<256xi32> to vector<256x1xi32>
    %eq3A_31 = vector.broadcast %broadcast_in_dim3A_30 : vector<256x1xi32> to vector<256x128xi32>
    %eq3A_32 = arith.cmpi eq, %iota3A_29, %eq3A_31 : vector<256x128xi32>
    %convert_element_type3A = arith.extui %eq3A_32 : vector<256x128xi1> to vector<256x128xi32>
    %convert_element_type3A_33 = arith.sitofp %convert_element_type3A : vector<256x128xi32> to vector<256x128xf32>
    %broadcast_in_dim3A_34 = vector.shape_cast %reduce_min3A_28 : vector<256xi32> to vector<256x1xi32>
    %eq3A_35 = vector.broadcast %broadcast_in_dim3A_34 : vector<256x1xi32> to vector<256x128xi32>
    %eq3A_36 = arith.cmpi eq, %iota3A_29, %eq3A_35 : vector<256x128xi32>
    %convert_element_type3A_37 = arith.extui %eq3A_36 : vector<256x128xi1> to vector<256x128xi32>
    %convert_element_type3A_38 = arith.sitofp %convert_element_type3A_37 : vector<256x128xi32> to vector<256x128xf32>
    %add3A_39 = arith.addf %convert_element_type3A_33, %convert_element_type3A_38 : vector<256x128xf32>
    %convert_element_type3A_40 = arith.truncf %add3A_39 : vector<256x128xf32> to vector<256x128xbf16>
    %iota3A_41 = tpu.iota {dimensions = array<i32: 0>} : vector<256x256xi32>
    %iota3A_42 = tpu.iota {dimensions = array<i32: 1>} : vector<256x256xi32>
    %gt3A = arith.cmpi sgt, %iota3A_41, %iota3A_42 : vector<256x256xi32>
    %convert_element_type3A_43 = arith.extui %gt3A : vector<256x256xi1> to vector<256x256xi32>
    %convert_element_type3A_44 = arith.sitofp %convert_element_type3A_43 : vector<256x256xi32> to vector<256x256xf32>
    %convert_element_type3A_45 = arith.truncf %convert_element_type3A_44 : vector<256x256xf32> to vector<256x256xbf16>
    %dot_general3A = arith.constant dense<0.000000e+00> : vector<256x128xf32>
    %dot_general3A_46 = tpu.matmul %convert_element_type3A_45, %convert_element_type3A_40, %dot_general3A {dimension_numbers = #tpu.dot_dimension_numbers<[1], [0], [0], [1], [0, 0, 1, 1], [], []>, transpose_lhs_hint = false} : vector<256x256xbf16>, vector<256x128xbf16>, vector<256x128xf32> -> vector<256x128xf32>
    %eq3A_47 = arith.constant 0 : i32
    %eq3A_48 = arith.cmpi eq, %arg0, %eq3A_47 : i32
    %convert_element_type3A_49 = arith.extui %eq3A_48 : i1 to i32
    %cond3A = arith.constant 0 : i32
    %cond3A_50 = arith.cmpi ne, %convert_element_type3A_49, %cond3A : i32
    scf.if %cond3A_50 {
      %broadcast_in_dim3A_105 = arith.constant 0.000000e+00 : f32
      %broadcast_in_dim3A_106 = vector.broadcast %broadcast_in_dim3A_105 : f32 to vector<1x128xf32>
      %swap3A_107 = arith.constant 0 : index
      %swap3A_108 = arith.constant 0 : index
      %swap3A_109 = vector.load %arg9[%swap3A_107, %swap3A_108] : memref<1x128xf32, #tpu.memory_space<vmem>>, vector<1x128xf32>
      tpu.vector_store %arg9[%swap3A_107, %swap3A_108], %broadcast_in_dim3A_106 {strides = array<i32>} : memref<1x128xf32, #tpu.memory_space<vmem>>, vector<1x128xf32>,
    } else {
    }
    %get3A_51 = arith.constant 0 : index
    %get3A_52 = arith.constant 0 : index
    %get3A_53 = vector.load %arg9[%get3A_51, %get3A_52] : memref<1x128xf32, #tpu.memory_space<vmem>>, vector<1x128xf32>
    %add3A_54 = vector.broadcast %get3A_53 : vector<1x128xf32> to vector<256x128xf32>
    %add3A_55 = arith.addf %dot_general3A_46, %add3A_54 : vector<256x128xf32>
    %mul3A = arith.mulf %add3A_55, %convert_element_type3A_33 : vector<256x128xf32>
    %reduce_sum3A_56 = arith.constant dense<0.000000e+00> : vector<256xf32>
    %reduce_sum3A_57 = vector.multi_reduction <add>, %mul3A, %reduce_sum3A_56 [1] : vector<256x128xf32> to vector<256xf32>
    %mul3A_58 = arith.mulf %add3A_55, %convert_element_type3A_38 : vector<256x128xf32>
    %reduce_sum3A_59 = arith.constant dense<0.000000e+00> : vector<256xf32>
    %reduce_sum3A_60 = vector.multi_reduction <add>, %mul3A_58, %reduce_sum3A_59 [1] : vector<256x128xf32> to vector<256xf32>
    %add3A_61 = arith.addf %convert_element_type3A_33, %convert_element_type3A_38 : vector<256x128xf32>
    %reduce_sum3A_62 = arith.constant dense<0.000000e+00> : vector<128xf32>
    %reduce_sum3A_63 = vector.multi_reduction <add>, %add3A_61, %reduce_sum3A_62 [0] : vector<256x128xf32> to vector<128xf32>
    %broadcast_in_dim3A_64 = vector.shape_cast %reduce_sum3A_63 : vector<128xf32> to vector<1x128xf32>
    %add3A_65 = arith.addf %get3A_53, %broadcast_in_dim3A_64 : vector<1x128xf32>
    %swap3A = arith.constant 0 : index
    %swap3A_66 = arith.constant 0 : index
    %swap3A_67 = vector.load %arg9[%swap3A, %swap3A_66] : memref<1x128xf32, #tpu.memory_space<vmem>>, vector<1x128xf32>
    tpu.vector_store %arg9[%swap3A, %swap3A_66], %add3A_65 {strides = array<i32>} : memref<1x128xf32, #tpu.memory_space<vmem>>, vector<1x128xf32>,
    %reshape3A = vector.shape_cast %reduce_min3A_12 : vector<256xi32> to vector<1x1x256xi32>
    %swap3A_68 = arith.constant 0 : index
    %swap3A_69 = arith.constant 0 : index
    %swap3A_70 = arith.constant 0 : index
    %swap3A_71 = vector.load %arg2[%swap3A_68, %swap3A_69, %swap3A_70] : memref<1x1x256xi32, #tpu.memory_space<vmem>>, vector<1x1x256xi32>
    tpu.vector_store %arg2[%swap3A_68, %swap3A_69, %swap3A_70], %reshape3A {strides = array<i32>} : memref<1x1x256xi32, #tpu.memory_space<vmem>>, vector<1x1x256xi32>,
    %reshape3A_72 = vector.shape_cast %reduce_min3A_28 : vector<256xi32> to vector<1x1x256xi32>
    %swap3A_73 = arith.constant 0 : index
    %swap3A_74 = arith.constant 0 : index
    %swap3A_75 = arith.constant 0 : index
    %swap3A_76 = vector.load %arg3[%swap3A_73, %swap3A_74, %swap3A_75] : memref<1x1x256xi32, #tpu.memory_space<vmem>>, vector<1x1x256xi32>
    tpu.vector_store %arg3[%swap3A_73, %swap3A_74, %swap3A_75], %reshape3A_72 {strides = array<i32>} : memref<1x1x256xi32, #tpu.memory_space<vmem>>, vector<1x1x256xi32>,
    %convert_element_type3A_77 = arith.fptosi %reduce_sum3A_57 : vector<256xf32> to vector<256xi32>
    %reshape3A_78 = vector.shape_cast %convert_element_type3A_77 : vector<256xi32> to vector<1x1x256xi32>
    %swap3A_79 = arith.constant 0 : index
    %swap3A_80 = arith.constant 0 : index
    %swap3A_81 = arith.constant 0 : index
    %swap3A_82 = vector.load %arg4[%swap3A_79, %swap3A_80, %swap3A_81] : memref<1x1x256xi32, #tpu.memory_space<vmem>>, vector<1x1x256xi32>
    tpu.vector_store %arg4[%swap3A_79, %swap3A_80, %swap3A_81], %reshape3A_78 {strides = array<i32>} : memref<1x1x256xi32, #tpu.memory_space<vmem>>, vector<1x1x256xi32>,
    %convert_element_type3A_83 = arith.fptosi %reduce_sum3A_60 : vector<256xf32> to vector<256xi32>
    %reshape3A_84 = vector.shape_cast %convert_element_type3A_83 : vector<256xi32> to vector<1x1x256xi32>
    %swap3A_85 = arith.constant 0 : index
    %swap3A_86 = arith.constant 0 : index
    %swap3A_87 = arith.constant 0 : index
    %swap3A_88 = vector.load %arg5[%swap3A_85, %swap3A_86, %swap3A_87] : memref<1x1x256xi32, #tpu.memory_space<vmem>>, vector<1x1x256xi32>
    tpu.vector_store %arg5[%swap3A_85, %swap3A_86, %swap3A_87], %reshape3A_84 {strides = array<i32>} : memref<1x1x256xi32, #tpu.memory_space<vmem>>, vector<1x1x256xi32>,
    %div3A_89 = arith.divf %reduce_max3A_8, %add3A : vector<256xf32>
    %reshape3A_90 = vector.shape_cast %div3A_89 : vector<256xf32> to vector<1x1x256xf32>
    %swap3A_91 = arith.constant 0 : index
    %swap3A_92 = arith.constant 0 : index
    %swap3A_93 = arith.constant 0 : index
    %swap3A_94 = vector.load %arg6[%swap3A_91, %swap3A_92, %swap3A_93] : memref<1x1x256xf32, #tpu.memory_space<vmem>>, vector<1x1x256xf32>
    tpu.vector_store %arg6[%swap3A_91, %swap3A_92, %swap3A_93], %reshape3A_90 {strides = array<i32>} : memref<1x1x256xf32, #tpu.memory_space<vmem>>, vector<1x1x256xf32>,
    %div3A_95 = arith.divf %reduce_max3A_20, %add3A : vector<256xf32>
    %reshape3A_96 = vector.shape_cast %div3A_95 : vector<256xf32> to vector<1x1x256xf32>
    %swap3A_97 = arith.constant 0 : index
    %swap3A_98 = arith.constant 0 : index
    %swap3A_99 = arith.constant 0 : index
    %swap3A_100 = vector.load %arg7[%swap3A_97, %swap3A_98, %swap3A_99] : memref<1x1x256xf32, #tpu.memory_space<vmem>>, vector<1x1x256xf32>
    tpu.vector_store %arg7[%swap3A_97, %swap3A_98, %swap3A_99], %reshape3A_96 {strides = array<i32>} : memref<1x1x256xf32, #tpu.memory_space<vmem>>, vector<1x1x256xf32>,
    %convert_element_type3A_101 = arith.fptosi %add3A_65 : vector<1x128xf32> to vector<1x128xi32>
    %swap3A_102 = arith.constant 0 : index
    %swap3A_103 = arith.constant 0 : index
    %swap3A_104 = vector.load %arg8[%swap3A_102, %swap3A_103] : memref<1x128xi32, #tpu.memory_space<vmem>>, vector<1x128xi32>
    tpu.vector_store %arg8[%swap3A_102, %swap3A_103], %convert_element_type3A_101 {strides = array<i32>} : memref<1x128xi32, #tpu.memory_space<vmem>>, vector<1x128xi32>,
    return
  }
  func.func @transform_0(%arg0: i32) -> (i32, i32) {
    %c0_i32 = arith.constant 0 : i32
    %c0_i32_0 = arith.constant 0 : i32
    return %arg0, %c0_i32 : i32, i32
  }
  func.func @transform_1(%arg0: i32) -> (i32, i32, i32) {
    %c0_i32 = arith.constant 0 : i32
    %c0_i32_0 = arith.constant 0 : i32
    %c0_i32_1 = arith.constant 0 : i32
    return %arg0, %c0_i32, %c0_i32_0 : i32, i32, i32
  }
  func.func @transform_2(%arg0: i32) -> (i32, i32, i32) {
    %c0_i32 = arith.constant 0 : i32
    %c0_i32_0 = arith.constant 0 : i32
    %c0_i32_1 = arith.constant 0 : i32
    return %arg0, %c0_i32, %c0_i32_0 : i32, i32, i32
  }
  func.func @transform_3(%arg0: i32) -> (i32, i32, i32) {
    %c0_i32 = arith.constant 0 : i32
    %c0_i32_0 = arith.constant 0 : i32
    %c0_i32_1 = arith.constant 0 : i32
    return %arg0, %c0_i32, %c0_i32_0 : i32, i32, i32
  }
  func.func @transform_4(%arg0: i32) -> (i32, i32, i32) {
    %c0_i32 = arith.constant 0 : i32
    %c0_i32_0 = arith.constant 0 : i32
    %c0_i32_1 = arith.constant 0 : i32
    return %arg0, %c0_i32, %c0_i32_0 : i32, i32, i32
  }
  func.func @transform_5(%arg0: i32) -> (i32, i32, i32) {
    %c0_i32 = arith.constant 0 : i32
    %c0_i32_0 = arith.constant 0 : i32
    %c0_i32_1 = arith.constant 0 : i32
    return %arg0, %c0_i32, %c0_i32_0 : i32, i32, i32
  }
  func.func @transform_6(%arg0: i32) -> (i32, i32, i32) {
    %c0_i32 = arith.constant 0 : i32
    %c0_i32_0 = arith.constant 0 : i32
    %c0_i32_1 = arith.constant 0 : i32
    return %arg0, %c0_i32, %c0_i32_0 : i32, i32, i32
  }
  func.func @transform_7(%arg0: i32) -> (i32, i32) {
    %c0_i32 = arith.constant 0 : i32
    %c0_i32_0 = arith.constant 0 : i32
    %c0_i32_1 = arith.constant 0 : i32
    return %c0_i32, %c0_i32_0 : i32, i32
  }
}

module attributes {stable_mosaic.version = 14 : i64} {
  func.func @_mm_body(%arg0: i32, %arg1: memref<32xi32, #tpu.memory_space<smem>>, %arg2: memref<1x2048xi32, #tpu.memory_space<vmem>>, %arg3: memref<1x2048xi32, #tpu.memory_space<vmem>>, %arg4: memref<1x2048xf32, #tpu.memory_space<vmem>>, %arg5: memref<1x2048xf32, #tpu.memory_space<vmem>>, %arg6: memref<2048x1024xbf16, #tpu.memory_space<vmem>>, %arg7: memref<1x4096x1024xbf16, #tpu.memory_space<vmem>>, %arg8: memref<1x1024x2048xbf16, #tpu.memory_space<vmem>>, %arg9: memref<2048x1024xf32, #tpu.memory_space<vmem>>, %arg10: memref<2048x1024xf32, #tpu.memory_space<vmem>>) attributes {dimension_semantics = [#tpu.dimension_semantics<arbitrary>], iteration_bounds = array<i64: 24>, scalar_prefetch = 1 : i64, scratch_operands = 1 : i64, tpu.core_type = #tpu.core_type<tc>, window_params = [{pipeline_mode = #tpu.pipeline_mode<synchronous>, transform_indices = @transform_0, window_bounds = array<i64: 1, 2048>}, {pipeline_mode = #tpu.pipeline_mode<synchronous>, transform_indices = @transform_1, window_bounds = array<i64: 1, 2048>}, {pipeline_mode = #tpu.pipeline_mode<synchronous>, transform_indices = @transform_2, window_bounds = array<i64: 1, 2048>}, {pipeline_mode = #tpu.pipeline_mode<synchronous>, transform_indices = @transform_3, window_bounds = array<i64: 1, 2048>}, {pipeline_mode = #tpu.pipeline_mode<synchronous>, transform_indices = @transform_4, window_bounds = array<i64: 2048, 1024>}, {transform_indices = @transform_5, window_bounds = array<i64: 1, 4096, 1024>}, {transform_indices = @transform_6, window_bounds = array<i64: 1, 1024, 2048>}, {pipeline_mode = #tpu.pipeline_mode<synchronous>, transform_indices = @transform_7, window_bounds = array<i64: 2048, 1024>}]} {
    %mul3A = arith.constant 256 : i32
    %mul3A_0 = arith.muli %arg0, %mul3A : i32
    %iota3A = tpu.iota {dimensions = array<i32: 0>} : vector<256x2048xi32>
    %add3A = vector.broadcast %mul3A_0 : i32 to vector<256x2048xi32>
    %add3A_1 = arith.addi %add3A, %iota3A : vector<256x2048xi32>
    %get3A = arith.constant 0 : index
    %get3A_2 = arith.constant 0 : index
    %get3A_3 = vector.load %arg2[%get3A, %get3A_2] : memref<1x2048xi32, #tpu.memory_space<vmem>>, vector<1x2048xi32>
    %eq3A = vector.broadcast %get3A_3 : vector<1x2048xi32> to vector<256x2048xi32>
    %eq3A_4 = arith.cmpi eq, %eq3A, %add3A_1 : vector<256x2048xi32>
    %get3A_5 = arith.constant 0 : index
    %get3A_6 = arith.constant 0 : index
    %get3A_7 = vector.load %arg3[%get3A_5, %get3A_6] : memref<1x2048xi32, #tpu.memory_space<vmem>>, vector<1x2048xi32>
    %eq3A_8 = vector.broadcast %get3A_7 : vector<1x2048xi32> to vector<256x2048xi32>
    %eq3A_9 = arith.cmpi eq, %eq3A_8, %add3A_1 : vector<256x2048xi32>
    %or3A = arith.ori %eq3A_4, %eq3A_9 : vector<256x2048xi1>
    %convert_element_type3A = arith.extui %or3A : vector<256x2048xi1> to vector<256x2048xi32>
    %convert_element_type3A_10 = arith.sitofp %convert_element_type3A : vector<256x2048xi32> to vector<256x2048xf32>
    %convert_element_type3A_11 = arith.truncf %convert_element_type3A_10 : vector<256x2048xf32> to vector<256x2048xbf16>
    %get3A_12 = arith.constant 0 : index
    %get3A_13 = arith.constant 0 : index
    %get3A_14 = vector.load %arg6[%get3A_12, %get3A_13] : memref<2048x1024xbf16, #tpu.memory_space<vmem>>, vector<2048x1024xbf16>
    %dot_general3A = arith.constant dense<0.000000e+00> : vector<256x1024xf32>
    %dot_general3A_15 = tpu.matmul %convert_element_type3A_11, %get3A_14, %dot_general3A {dimension_numbers = #tpu.dot_dimension_numbers<[1], [0], [0], [1], [0, 0, 1, 1], [], []>, transpose_lhs_hint = false} : vector<256x2048xbf16>, vector<2048x1024xbf16>, vector<256x1024xf32> -> vector<256x1024xf32>
    %convert_element_type3A_16 = arith.truncf %dot_general3A_15 : vector<256x1024xf32> to vector<256x1024xbf16>
    %get3A_17 = arith.constant 0 : index
    %get3A_18 = arith.constant 0 : index
    %get3A_19 = arith.constant 0 : index
    %get3A_20 = vector.load %arg7[%get3A_17, %get3A_18, %get3A_19] : memref<1x4096x1024xbf16, #tpu.memory_space<vmem>>, vector<1x4096x1024xbf16>
    %get3A_21 = vector.shape_cast %get3A_20 : vector<1x4096x1024xbf16> to vector<4096x1024xbf16>
    %get3A_22 = arith.constant 0 : index
    %get3A_23 = arith.constant 0 : index
    %get3A_24 = arith.constant 0 : index
    %get3A_25 = vector.load %arg8[%get3A_22, %get3A_23, %get3A_24] : memref<1x1024x2048xbf16, #tpu.memory_space<vmem>>, vector<1x1024x2048xbf16>
    %get3A_26 = vector.shape_cast %get3A_25 : vector<1x1024x2048xbf16> to vector<1024x2048xbf16>
    %dot_general3A_27 = arith.constant dense<0.000000e+00> : vector<256x4096xf32>
    %dot_general3A_28 = tpu.matmul %convert_element_type3A_16, %get3A_21, %dot_general3A_27 {dimension_numbers = #tpu.dot_dimension_numbers<[1], [1], [0], [0], [0, 0, 1, 0], [], []>, transpose_lhs_hint = false} : vector<256x1024xbf16>, vector<4096x1024xbf16>, vector<256x4096xf32> -> vector<256x4096xf32>
    %slice3A = vector.extract_strided_slice %dot_general3A_28 {offsets = [0, 0], sizes = [256, 2048], strides = [1, 1]} : vector<256x4096xf32> to vector<256x2048xf32>
    %slice3A_29 = vector.extract_strided_slice %dot_general3A_28 {offsets = [0, 2048], sizes = [256, 2048], strides = [1, 1]} : vector<256x4096xf32> to vector<256x2048xf32>
    %logistic3A = arith.negf %slice3A : vector<256x2048xf32>
    %logistic3A_30 = math.exp %logistic3A : vector<256x2048xf32>
    %logistic3A_31 = arith.constant 1.000000e+00 : f32
    %logistic3A_32 = vector.broadcast %logistic3A_31 : f32 to vector<256x2048xf32>
    %logistic3A_33 = arith.addf %logistic3A_32, %logistic3A_30 : vector<256x2048xf32>
    %logistic3A_34 = arith.divf %logistic3A_32, %logistic3A_33 : vector<256x2048xf32>
    %mul3A_35 = arith.mulf %slice3A, %logistic3A_34 : vector<256x2048xf32>
    %mul3A_36 = arith.mulf %mul3A_35, %slice3A_29 : vector<256x2048xf32>
    %convert_element_type3A_37 = arith.truncf %mul3A_36 : vector<256x2048xf32> to vector<256x2048xbf16>
    %dot_general3A_38 = arith.constant dense<0.000000e+00> : vector<256x1024xf32>
    %dot_general3A_39 = tpu.matmul %convert_element_type3A_37, %get3A_26, %dot_general3A_38 {dimension_numbers = #tpu.dot_dimension_numbers<[1], [1], [0], [0], [0, 0, 1, 0], [], []>, transpose_lhs_hint = false} : vector<256x2048xbf16>, vector<1024x2048xbf16>, vector<256x1024xf32> -> vector<256x1024xf32>
    %get3A_40 = arith.constant 0 : index
    %get3A_41 = arith.constant 0 : index
    %get3A_42 = vector.load %arg4[%get3A_40, %get3A_41] : memref<1x2048xf32, #tpu.memory_space<vmem>>, vector<1x2048xf32>
    %jit3A = arith.constant 0.000000e+00 : f32
    %broadcast_in_dim3A = vector.shape_cast %get3A_42 : vector<1x2048xf32> to vector<1x2048xf32>
    %broadcast_in_dim3A_43 = vector.broadcast %broadcast_in_dim3A : vector<1x2048xf32> to vector<256x2048xf32>
    %broadcast_in_dim3A_44 = vector.broadcast %jit3A : f32 to vector<256x2048xf32>
    %select_n3A = arith.select %eq3A_4, %broadcast_in_dim3A_43, %broadcast_in_dim3A_44 : vector<256x2048xi1>, vector<256x2048xf32>
    %reduce_sum3A = arith.constant dense<0.000000e+00> : vector<256xf32>
    %reduce_sum3A_45 = vector.multi_reduction <add>, %select_n3A, %reduce_sum3A [1] : vector<256x2048xf32> to vector<256xf32>
    %get3A_46 = arith.constant 0 : index
    %get3A_47 = arith.constant 0 : index
    %get3A_48 = vector.load %arg5[%get3A_46, %get3A_47] : memref<1x2048xf32, #tpu.memory_space<vmem>>, vector<1x2048xf32>
    %jit3A_49 = arith.constant 0.000000e+00 : f32
    %broadcast_in_dim3A_50 = vector.shape_cast %get3A_48 : vector<1x2048xf32> to vector<1x2048xf32>
    %broadcast_in_dim3A_51 = vector.broadcast %broadcast_in_dim3A_50 : vector<1x2048xf32> to vector<256x2048xf32>
    %broadcast_in_dim3A_52 = vector.broadcast %jit3A_49 : f32 to vector<256x2048xf32>
    %select_n3A_53 = arith.select %eq3A_9, %broadcast_in_dim3A_51, %broadcast_in_dim3A_52 : vector<256x2048xi1>, vector<256x2048xf32>
    %reduce_sum3A_54 = arith.constant dense<0.000000e+00> : vector<256xf32>
    %reduce_sum3A_55 = vector.multi_reduction <add>, %select_n3A_53, %reduce_sum3A_54 [1] : vector<256x2048xf32> to vector<256xf32>
    %add3A_56 = arith.addf %reduce_sum3A_45, %reduce_sum3A_55 : vector<256xf32>
    %broadcast_in_dim3A_57 = vector.shape_cast %add3A_56 : vector<256xf32> to vector<256x1xf32>
    %mul3A_58 = vector.broadcast %broadcast_in_dim3A_57 : vector<256x1xf32> to vector<256x1024xf32>
    %mul3A_59 = arith.mulf %dot_general3A_39, %mul3A_58 : vector<256x1024xf32>
    %convert_element_type3A_60 = arith.truncf %mul3A_59 : vector<256x1024xf32> to vector<256x1024xbf16>
    %dot_general3A_61 = arith.constant dense<0.000000e+00> : vector<2048x1024xf32>
    %dot_general3A_62 = tpu.matmul %convert_element_type3A_11, %convert_element_type3A_60, %dot_general3A_61 {dimension_numbers = #tpu.dot_dimension_numbers<[0], [0], [1], [1], [0, 1, 1, 1], [], []>, transpose_lhs_hint = false} : vector<256x2048xbf16>, vector<256x1024xbf16>, vector<2048x1024xf32> -> vector<2048x1024xf32>
    %eq3A_63 = arith.constant 0 : i32
    %eq3A_64 = arith.cmpi eq, %arg0, %eq3A_63 : i32
    %convert_element_type3A_65 = arith.extui %eq3A_64 : i1 to i32
    %cond3A = arith.constant 0 : i32
    %cond3A_66 = arith.cmpi ne, %convert_element_type3A_65, %cond3A : i32
    scf.if %cond3A_66 {
      %swap3A = arith.constant 0 : index
      %swap3A_76 = arith.constant 0 : index
      %swap3A_77 = vector.load %arg10[%swap3A, %swap3A_76] : memref<2048x1024xf32, #tpu.memory_space<vmem>>, vector<2048x1024xf32>
      tpu.vector_store %arg10[%swap3A, %swap3A_76], %dot_general3A_62 {strides = array<i32>} : memref<2048x1024xf32, #tpu.memory_space<vmem>>, vector<2048x1024xf32>,
    } else {
    }
    %gt3A = arith.constant 0 : i32
    %gt3A_67 = arith.cmpi sgt, %arg0, %gt3A : i32
    %convert_element_type3A_68 = arith.extui %gt3A_67 : i1 to i32
    %cond3A_69 = arith.constant 0 : i32
    %cond3A_70 = arith.cmpi ne, %convert_element_type3A_68, %cond3A_69 : i32
    scf.if %cond3A_70 {
      %get3A_76 = arith.constant 0 : index
      %get3A_77 = arith.constant 0 : index
      %get3A_78 = vector.load %arg10[%get3A_76, %get3A_77] : memref<2048x1024xf32, #tpu.memory_space<vmem>>, vector<2048x1024xf32>
      %add3A_79 = arith.addf %get3A_78, %dot_general3A_62 : vector<2048x1024xf32>
      %swap3A = arith.constant 0 : index
      %swap3A_80 = arith.constant 0 : index
      %swap3A_81 = vector.load %arg10[%swap3A, %swap3A_80] : memref<2048x1024xf32, #tpu.memory_space<vmem>>, vector<2048x1024xf32>
      tpu.vector_store %arg10[%swap3A, %swap3A_80], %add3A_79 {strides = array<i32>} : memref<2048x1024xf32, #tpu.memory_space<vmem>>, vector<2048x1024xf32>,
    } else {
    }
    %eq3A_71 = arith.constant 23 : i32
    %eq3A_72 = arith.cmpi eq, %arg0, %eq3A_71 : i32
    %convert_element_type3A_73 = arith.extui %eq3A_72 : i1 to i32
    %cond3A_74 = arith.constant 0 : i32
    %cond3A_75 = arith.cmpi ne, %convert_element_type3A_73, %cond3A_74 : i32
    scf.if %cond3A_75 {
      %get3A_76 = arith.constant 0 : index
      %get3A_77 = arith.constant 0 : index
      %get3A_78 = vector.load %arg10[%get3A_76, %get3A_77] : memref<2048x1024xf32, #tpu.memory_space<vmem>>, vector<2048x1024xf32>
      %swap3A = arith.constant 0 : index
      %swap3A_79 = arith.constant 0 : index
      %swap3A_80 = vector.load %arg9[%swap3A, %swap3A_79] : memref<2048x1024xf32, #tpu.memory_space<vmem>>, vector<2048x1024xf32>
      tpu.vector_store %arg9[%swap3A, %swap3A_79], %get3A_78 {strides = array<i32>} : memref<2048x1024xf32, #tpu.memory_space<vmem>>, vector<2048x1024xf32>,
    } else {
    }
    return
  }
  func.func @transform_0(%arg0: i32, %arg1: memref<32xi32, #tpu.memory_space<smem>>) -> (i32, i32) {
    %c0_i32 = arith.constant 0 : i32
    %c0_i32_0 = arith.constant 0 : i32
    %c0_i32_1 = arith.constant 0 : i32
    return %c0_i32, %c0_i32_0 : i32, i32
  }
  func.func @transform_1(%arg0: i32, %arg1: memref<32xi32, #tpu.memory_space<smem>>) -> (i32, i32) {
    %c0_i32 = arith.constant 0 : i32
    %c0_i32_0 = arith.constant 0 : i32
    %c0_i32_1 = arith.constant 0 : i32
    return %c0_i32, %c0_i32_0 : i32, i32
  }
  func.func @transform_2(%arg0: i32, %arg1: memref<32xi32, #tpu.memory_space<smem>>) -> (i32, i32) {
    %c0_i32 = arith.constant 0 : i32
    %c0_i32_0 = arith.constant 0 : i32
    %c0_i32_1 = arith.constant 0 : i32
    return %c0_i32, %c0_i32_0 : i32, i32
  }
  func.func @transform_3(%arg0: i32, %arg1: memref<32xi32, #tpu.memory_space<smem>>) -> (i32, i32) {
    %c0_i32 = arith.constant 0 : i32
    %c0_i32_0 = arith.constant 0 : i32
    %c0_i32_1 = arith.constant 0 : i32
    return %c0_i32, %c0_i32_0 : i32, i32
  }
  func.func @transform_4(%arg0: i32, %arg1: memref<32xi32, #tpu.memory_space<smem>>) -> (i32, i32) {
    %c0_i32 = arith.constant 0 : i32
    %c0_i32_0 = arith.constant 0 : i32
    %c0_i32_1 = arith.constant 0 : i32
    return %c0_i32, %c0_i32_0 : i32, i32
  }
  func.func @transform_5(%arg0: i32, %arg1: memref<32xi32, #tpu.memory_space<smem>>) -> (i32, i32, i32) {
    %get3A = arith.index_cast %arg0 : i32 to index
    %get3A_0 = memref.load %arg1[%get3A] : memref<32xi32, #tpu.memory_space<smem>>
    %c0_i32 = arith.constant 0 : i32
    %c0_i32_1 = arith.constant 0 : i32
    %c0_i32_2 = arith.constant 0 : i32
    return %get3A_0, %c0_i32, %c0_i32_1 : i32, i32, i32
  }
  func.func @transform_6(%arg0: i32, %arg1: memref<32xi32, #tpu.memory_space<smem>>) -> (i32, i32, i32) {
    %get3A = arith.index_cast %arg0 : i32 to index
    %get3A_0 = memref.load %arg1[%get3A] : memref<32xi32, #tpu.memory_space<smem>>
    %c0_i32 = arith.constant 0 : i32
    %c0_i32_1 = arith.constant 0 : i32
    %c0_i32_2 = arith.constant 0 : i32
    return %get3A_0, %c0_i32, %c0_i32_1 : i32, i32, i32
  }
  func.func @transform_7(%arg0: i32, %arg1: memref<32xi32, #tpu.memory_space<smem>>) -> (i32, i32) {
    %c0_i32 = arith.constant 0 : i32
    %c0_i32_0 = arith.constant 0 : i32
    %c0_i32_1 = arith.constant 0 : i32
    return %c0_i32, %c0_i32_0 : i32, i32
  }
}

</mosaic_0001>

<sc_bundles>
// kernel: kernel.5.cloned.1.call-start
scs
__scs_entry_jumppad:
0x0: {  	(pc) =	sbr.rel $0x88, $3  }
0x1: {  	(tag) =	ssettag $0x0;
	lr =	simm.s32 $0x1  }
0x2: {  	[smem:$0x3F9D] =	sst lr;
	_ =	strace $0xD0000000  }
0x3: {  	_ = 	snop  }
0x4: {  	_ = 	snop  }
0x5: {  	_ = 	snop  }
0x6: {  	_ = 	snop  }
0x7: {  	_ = 	snop  }
__scs_overlays_trampoline_lowered:
0x8: {  	[smem:$0x3FAC] =	sst s0  }
0x9: {  	[smem:$0x3FAD] =	sst s1  }
0xa: {  	[smem:$0x3FAE] =	sst s2  }
0xb: {  	[smem:$0x3FAF] =	sst s3  }
0xc: {  	[smem:$0x3FB0] =	sst s4  }
0xd: {  	[smem:$0x3FB1] =	sst s5  }
0xe: {  	[smem:$0x3FB2] =	sst s6  }
0xf: {  	[smem:$0x3FB3] =	sst s7  }
0x10: {  	[smem:$0x3FB4] =	sst s8  }
0x11: {  	[smem:$0x3FB5] =	sst s9;
	s0 =	simm.s32 @!p0 $0x0  }
0x12: {  	s1 =	sld [smem:$0x3F9B];
	s0 =	simm.s32 @p0 $0x1  }
0x13: {  	[smem:$0x3FB6] =	sst s0;
	s0 =	simm.s32 @!p1 $0x0  }
0x14: {  	s2 =	sld [smem:$0x3F9A];
	s0 =	simm.s32 @p1 $0x1  }
0x15: {  	[smem:$0x3FB7] =	sst s0;
	s0 =	simm.s32 @!p2 $0x0  }
0x16: {  	s3 =	sld [smem:$0x3FDB];
	s0 =	simm.s32 @p2 $0x1  }
0x17: {  	s4 =	simm.s32 $0x1BF5;
	[smem:$0x3FB9] =	sst s0  }
0x18: {  	s0 =	sld [smem:$0x3F9C];
	_ =	swait.ge [sflag:s4], $0x0  }
0x19: {  	s7 =	sld [smem:$0x3F9D]  }
0x1a: {  	s8 =	sadd.s32 $0xFFFFE003, lr  }
0x1b: {  	s9 =	sadd.s32 $0xFFFFFEF7, lr;
	s5 =	simm.s32 $0xFFFFFFFF;
	p2 =	slt.u32 s8, $0xFFFFF086  }
0x1c: {  	p1 =	slt.u32 s9, $0xF7A;
	s5 =	simm.s32 @!p2 $0x0  }
0x1d: {  	s5 =	simm.s32 @p1 $0x1;
	p0 =	seq.s32 s7, s2  }
0x1e: {  	s7 =	smul.u32 @!p0 $0xF7A, s2;
	p2 =	seq.s32 @!p0 s5, $0x0  }
0x1f: {  	s9 =	smul.u32 $0xF7A, s1;
	s8 =	simm.s32 @!p0 $0x1BF5;
	p2 =	por !p2, p0  }
0x20: {  	[sflag:s8] =	ssyncset.s32 @!p0 $0xFFFFF086;
	s6 =	sadd.s32 @!p0 s3, s7;
	s7 =	simm.s32 @!p0 $0x108  }
0x21: {  	s3 =	sadd.s32 s3, s9;
	s6 =	sadd.s32 @!p0 $0x88, s6;
	s7 =	simm.s32 @p2 $0x1082  }
0x22: {  	[simem:s7], [sflag:s8] =	dma.local @!p0 [hbm:s6], $0xF7A  }
0x23: {  	s9 =	sor.u32 $0xD0000000, s2;
	s6 =	simm.s32 $0x108;
	_ =	swait.ge @!p0 [sflag:s8], $0x0  }
0x24: {  	s3 =	sadd.s32 $0x88, s3;
	s6 =	simm.s32 @!p1 $0x1082;
	[sflag:s4] =	ssyncset.s32 $0xFFFFF086  }
0x25: {  	[simem:s6], [sflag:s4] =	dma.local [hbm:s3], $0xF7A  }
0x26: {  	[smem:$0x3F9D] =	sst s1;
	(tag) =	ssettag s2;
	_ =	strace s9  }
0x27: {  	s1 =	sld [smem:$0x3FAD]  }
0x28: {  	s2 =	sld [smem:$0x3FAE]  }
0x29: {  	s4 =	sld [smem:$0x3FB0]  }
0x2a: {  	p0 =	seq.s32 s5, $0x0;
	s5 =	sld [smem:$0x3FB1]  }
0x2b: {  	s6 =	sld [smem:$0x3FB2]  }
0x2c: {  	s7 =	sld [smem:$0x3FB3]  }
0x2d: {  	s3 =	simm.s32 $0x108;
	s8 =	sld [smem:$0x3FB4]  }
0x2e: {  	s3 =	simm.s32 @!p0 $0x1082;
	s9 =	sld [smem:$0x3FB5]  }
0x2f: {  	lr =	sadd.s32 s0, s3;
	s0 =	sld [smem:$0x3FAC]  }
0x30: {  	s3 =	sld [smem:$0x3FAF]  }
0x31: {  	[smem:$0x3FB8] =	sst s10  }
0x32: {  	s10 =	sld [smem:$0x3FB6];
	_ =	sdelay $0x3  }
0x33: {  	p0 =	seq.s32 s10, $0x1;
	s10 =	sld [smem:$0x3FB8];
	_ =	sdelay $0x3  }
0x34: {  	[smem:$0x3FB8] =	sst s10  }
0x35: {  	s10 =	sld [smem:$0x3FB7];
	_ =	sdelay $0x3  }
0x36: {  	p1 =	seq.s32 s10, $0x1;
	s10 =	sld [smem:$0x3FB8];
	_ =	sdelay $0x3  }
0x37: {  	[smem:$0x3FB8] =	sst s10  }
0x38: {  	s10 =	sld [smem:$0x3FB9]  }
0x39: {  	_ = 	snop;
	(pc) =	sbr.ind lr, $3  }
0x3a: {  	_ = 	snop  }
0x3b: {  	_ = 	snop  }
0x3c: {  	p2 =	seq.s32 s10, $0x1;
	s10 =	sld [smem:$0x3FB8]  }
0x3d: {  	_ =	shalt  }
0x3e: {  	_ =	shalt  }
0x3f: {  	_ =	shalt  }
0x40: {  	_ =	shalt  }
0x41: {  	_ =	shalt  }
0x42: {  	_ =	shalt  }
0x43: {  	_ =	shalt  }
0x44: {  	_ =	shalt  }
0x45: {  	_ =	shalt  }
0x46: {  	_ =	shalt  }
0x47: {  	_ =	shalt  }
0x48: {  	_ =	shalt  }
0x49: {  	_ =	shalt  }
0x4a: {  	_ =	shalt  }
0x4b: {  	_ =	shalt  }
0x4c: {  	_ =	shalt  }
0x4d: {  	_ =	shalt  }
0x4e: {  	_ =	shalt  }
0x4f: {  	_ =	shalt  }
0x50: {  	_ =	shalt  }
0x51: {  	_ =	shalt  }
0x52: {  	_ =	shalt  }
0x53: {  	_ =	shalt  }
0x54: {  	_ =	shalt  }
0x55: {  	_ =	shalt  }
0x56: {  	_ =	shalt  }
0x57: {  	_ =	shalt  }
0x58: {  	_ =	shalt  }
0x59: {  	_ =	shalt  }
0x5a: {  	_ =	shalt  }
0x5b: {  	_ =	shalt  }
0x5c: {  	_ =	shalt  }
0x5d: {  	_ =	shalt  }
0x5e: {  	_ =	shalt  }
0x5f: {  	_ =	shalt  }
0x60: {  	_ =	shalt  }
0x61: {  	_ =	shalt  }
0x62: {  	_ =	shalt  }
0x63: {  	_ =	shalt  }
0x64: {  	_ =	shalt  }
0x65: {  	_ =	shalt  }
0x66: {  	_ =	shalt  }
0x67: {  	_ =	shalt  }
0x68: {  	_ =	shalt  }
0x69: {  	_ =	shalt  }
0x6a: {  	_ =	shalt  }
0x6b: {  	_ =	shalt  }
0x6c: {  	_ =	shalt  }
0x6d: {  	_ =	shalt  }
0x6e: {  	_ =	shalt  }
0x6f: {  	_ =	shalt  }
0x70: {  	_ =	shalt  }
0x71: {  	_ =	shalt  }
0x72: {  	_ =	shalt  }
0x73: {  	_ =	shalt  }
0x74: {  	_ =	shalt  }
0x75: {  	_ =	shalt  }
0x76: {  	_ =	shalt  }
0x77: {  	_ =	shalt  }
0x78: {  	_ =	shalt  }
0x79: {  	_ =	shalt  }
0x7a: {  	_ =	shalt  }
0x7b: {  	_ =	shalt  }
0x7c: {  	_ =	shalt  }
0x7d: {  	_ =	shalt  }
0x7e: {  	_ =	shalt  }
0x7f: {  	_ =	shalt  }
0x80: {  	_ =	shalt  }
0x81: {  	_ =	shalt  }
0x82: {  	_ =	shalt  }
0x83: {  	_ =	shalt  }
0x84: {  	_ =	shalt  }
0x85: {  	_ =	shalt  }
0x86: {  	_ =	shalt  }
0x87: {  	_ =	shalt  }
.Lfunc_end0:
.L_simem_size_0:
called_computation_lowered:
.L_overlay_start_0:
0x88: {  	s2 =	sld [smem:$0x3FD9]  }
0x89: {  	s3 =	sld [smem:$0x3FFE];
	_ =	sdelay $0x1  }
0x8a: {  	s1 =	srdreg.scid  }
0x8b: {  	s0 =	sand.u32 $0x1, s1  }
0x8c: {  	s17 =	sshll.u32 s0, $0xA;
	s2 =	sadd.s32 s3, s2  }
0x8d: {  	s2 =	sadd.s32 s2, s17  }
0x8e: {  	[smem:$0x3FC4] =	sst s2  }
0x8f: {  	_ = 	snop  }
0x90: {  	s2 =	sld [smem:$0x3FD0];
	(tm) =	ssettm $0x1  }
0x91: {  	s18 =	sld [smem:$0x3FFB];
	_ =	sdelay $0x3  }
0x92: {  	_ =	strace s18  }
0x93: {  	s3 =	sld [smem:$0x3FFC];
	_ =	sdelay $0x3  }
0x94: {  	_ =	strace s3  }
0x95: {  	s3 =	sld [smem:$0x3FFD];
	_ =	sdelay $0x3  }
0x96: {  	_ =	strace s3  }
0x97: {  	_ =	strace $0x8FFFFFFF  }
0x98: {  	s19 =	sld [smem:$0x3FDB];
	_ =	sdelay $0x1  }
0x99: {  	s4 =	simm.s32 $_scs_section_size  }
0x9a: {  	s5 =	simm.s32 $_size__tile_overlayer_lowered;
	s6 =	simm.s32 $_tile_overlayer_lowered  }
0x9b: {  	s22 =	simm.s32 $0x1BFF;
	s21 =	sshll.u32 s6, $0x1;
	s3 =	sadd.s32 s4, s19  }
0x9c: {  	s7 =	simm.s32 $0x0;
	s20 =	sshll.u32 s5, $0x1;
	s5 =	sadd.s32 s21, s3  }
0x9d: {  	[timem:s7], [sflag:s22] =	dma.local [hbm:s5], s20  }
0x9e: {  	_ =	swait.ge [sflag:s22], s20  }
0x9f: {  	s4 =	ssub.s32 $0x0, s20;
	[sflag:s22] =	ssyncset.done $0x0  }
0xa0: {  	[sflag:s22] =	ssyncadd.s32 s4;
	_ =	sdelay $0x1  }
0xa1: {  	s23 =	simm.s32 $0x1B8B  }
0xa2: {  	_ =	swait.ge [sflag:s23], $0x1  }
0xa3: {  	[sflag:s23] =	ssyncset.done $0x0  }
0xa4: {  	s25 =	simm.s32 $0x1B8E;
	s24 =	sld [smem:$0x3FFE];
	[sflag:s23] =	ssyncadd.s32 $0xFFFFFFFF  }
0xa5: {  	s26 =	simm.s32 $execute0_lowered;
	[smem:$0x3FD2] =	sst s25  }
0xa6: {  	s5 =	sshll.u32 s26, $0x1;
	_ =	strace $0x80000046;
	[dreg:$0x1] =	wrdreg $0xFFFFFFFF  }
0xa7: {  	s28 =	simm.s32 $_size_execute0_lowered;
	s3 =	sadd.s32 s3, s5;
	[dreg:$0x0] =	wrdreg $0x0  }
0xa8: {  	s5 =	sshll.u32 s28, $0x1;
	[dreg:$0x2] =	wrdreg s3  }
0xa9: {  	[dreg:$0x3] =	wrdreg s5  }
0xaa: {  	[dreg:$0x4] =	wrdreg $0xC0  }
0xab: {  	_ =	task [dreg:s7], $0x5FFFF  }
0xac: {  	[dreg:$0x1] =	wrdreg $0xFFFFFFFF  }
0xad: {  	[dreg:$0x0] =	wrdreg $0x60  }
0xae: {  	[dreg:$0x2] =	wrdreg s24  }
0xaf: {  	[dreg:$0x3] =	wrdreg s2  }
0xb0: {  	[dreg:$0x4] =	wrdreg $0x9  }
0xb1: {  	_ =	task.clear_ibuf [dreg:s7], $0x5FFFF;
	_ =	strace $0x90000046  }
0xb2: {  	s29 =	simm.s32 $0x9;
	_ =	strace $0x80000048  }
0xb3: {  	_ =	swait.ge [sflag:s29], $0x1  }
0xb4: {  	[sflag:s29] =	ssyncadd.s32 $0xFFFFFFFF  }
0xb5: {  	_ =	strace $0x90000048  }
0xb6: {  	_ =	sfence  }
0xb7: {  	s30 =	sld [smem:$0x0];
	_ =	sdelay $0x2  }
0xb8: {  	s31 =	sshll.u32 s1, $0xD;
	s1 =	sshrl.u32 s1, $0x2  }
0xb9: {  	s3 =	sand.u32 $0x4000, s31;
	s1 =	sadd.s32 s1, s30  }
0xba: {  	s0 =	sor.u32 s3, s0;
	s1 =	sshll.u32 s1, $0x11  }
0xbb: {  	s0 =	sor.u32 s1, s0  }
0xbc: {  	s0 =	sadd.s32 $0x8F2B, s0  }
0xbd: {  	[sflag:s0] =	ssyncadd.remote.s32 $0x1  }
0xbe: {  	_ =	sfence.sel $0xFFFF  }
0xbf: {  	[dreg:$0x0] =	wrdreg $0xFFFFFFFF;
	(pc) =	sbr.abs _section_cstart, $3  }
0xc0: {  	[dreg:$0x1] =	wrdreg $0xFFFFFFFF  }
0xc1: {  	_ =	task.clear_ibuf [dreg:s7], $0x2FFFF;
	_ =	strace $0x9FFFFFFF  }
0xc2: {  	(tm) =	ssettm $0x7FFFFFFF  }
0xc3: {  	_ =	shalt  }
tec
execute0_lowered:
.L_overlay_start_1:
0x0: {  	(tag) =	ssettag $0x1  }
0x1: {  	s0 =	srdreg.scid  }
0x2: {  	s31 =	stileid.u32;
	s11 =	sand.u32 $0x1, s0  }
0x3: {  	s0 =	sor.u32 s31, s11  }
0x4: {  	p0 =	sne.s32 s0, $0x0  }
.Ltmp0:
0x5: {  	_ = 	snop;
	(pc) =	sbr.rel @p0 .LBB2_7-.Ltmp0, $2  }
0x6: {  	_ =	sdelay $0x2  }
0x7: {  	s13 =	rddreg [dreg:$0x0];
	_ =	strace $0x80000047  }
0x8: {  	v0 =	vimm.s32 $0xEDCBA987  }
0x9: {  	v1 =	vimm.s32 $0x65432100;
	v2 =	vimm.s32 $0xDCBA9876;
	v3 =	vimm.s32 $0x54321000  }
0xa: {  	vm0 =	vmmov $0xff;
	v4 =	vimm.s32 $0x43210000;
	vm1 =	vmmov $0x3  }
0xb: {  	v6 =	vimm.s32 $0x39000;
	v7 =	vimm.s32 $0x32100000;
	v8 =	vimm.s32 $0xA9876540  }
0xc: {  	vm2 =	vmmov $0x7;
	v9 =	vimm.s32 $0x98765400;
	v11 =	vimm.s32 $0x390000  }
0xd: {  	vm4 =	vcmask $0x3F24;
	vm3 =	vmmov $0xf;
	v0 =	vunpack.c.l.s4.s8 v0  }
0xe: {  	vm5 =	vcmask $0x3F28;
	vm6 =	vcmask $0x2B00;
	v1 =	vunpack.c.l.s4.s8 v1  }
0xf: {  	v12 =	vimm.s32 $0x2;
	v2 =	vunpack.c.l.s4.s8 v2;
	v0 =	vunpack.c.0.s8.s32 v0  }
0x10: {  	v13 =	vimm.s32 $0x3;
	v3 =	vunpack.c.l.s4.s8 v3;
	v1 =	vunpack.c.0.s8.s32 v1  }
0x11: {  	v14 =	vimm.s32 $0x4;
	v2 =	vunpack.c.0.s8.s32 v2;
	v0 =	vand.u32 $0xF, v0  }
0x12: {  	v3 =	vunpack.c.0.s8.s32 v3;
	v0 =	vcombine.low v1, v0;
	v1 =	vimm.s32 $0xCBA98765  }
0x13: {  	v15 =	vimm.s32 $0x5;
	v2 =	vand.u32 $0xF, v2;
	v5 =	vunpack.c.l.s4.s8 v1  }
0x14: {  	v16 =	vimm.s32 $0x6;
	v2 =	vcombine.low v3, v2;
	v3 =	vunpack.c.l.s4.s8 v4  }
0x15: {  	v6 =	vunpack.c.l.s2.s4 v6;
	v4 =	vunpack.c.0.s8.s32 v5;
	v5 =	vimm.s32 $0xBA987654  }
0x16: {  	v17 =	vimm.s32 $0x7;
	v3 =	vunpack.c.0.s8.s32 v3;
	v5 =	vunpack.c.l.s4.s8 v5  }
0x17: {  	v7 =	vunpack.c.l.s4.s8 v7;
	v6 =	vunpack.c.l.s4.s8 v6;
	v4 =	vand.u32 $0xF, v4  }
0x18: {  	v5 =	vunpack.c.0.s8.s32 v5;
	v3 =	vcombine.low v3, v4;
	v4 =	vunpack.c.l.s4.s8 v8  }
0x19: {  	v18 =	vimm.f32 $0.0e+00;
	v7 =	vunpack.c.0.s8.s32 v7;
	v6 =	vunpack.c.0.s8.s32 v6  }
0x1a: {  	v5 =	vand.u32 $0xF, v5;
	v8 =	vunpack.c.0.s8.s32 v4;
	v4 =	vimm.s32 $0xE4000  }
0x1b: {  	s3 =	sadd.s32 $0x2400, s13;
	s4 =	sadd.s32 $0x2200, s13;
	s5 =	sadd.s32 $0x1800, s13;
	v10 =	vunpack.c.l.s2.s4 v4;
	v4 =	vcombine.low v7, v5;
	v7 =	vunpack.c.l.s2.s4 v11  }
0x1c: {  	s6 =	sadd.s32 $0x1A00, s13;
	s7 =	sadd.s32 $0x1C00, s13;
	s8 =	sadd.s32 $0x1E00, s13;
	v1 =	vlaneseq.u32;
	v6 =	vand.u32 $0x3, v6;
	v5 =	vunpack.c.l.s4.s8 v9  }
0x1d: {  	s9 =	sadd.s32 $0x2000, s13;
	s10 =	sadd.s32 $0x2600, s13;
	s0 =	ssub.s32 $0x2, s11;
	v8 =	vand.u32 $0xF, v8;
	v9 =	vunpack.c.l.s4.s8 v10;
	v7 =	vunpack.c.l.s4.s8 v7  }
0x1e: {  	s11 =	sadd.s32 $0x2A00, s13;
	s12 =	sadd.s32 $0x2C00, s13;
	s13 =	sadd.s32 $0x2E00, s13;
	v11 =	vmul.u32 $0x100, v1;
	v10 =	vunpack.c.0.s8.s32 v5;
	v5 =	vsel vm4, v8, v6  }
0x1f: {  	s15 =	simm.s32 $0x0;
	s16 =	simm.s32 $0x1;
	s17 =	simm.s32 $0x180;
	vm4 =	vmmov $0x1f;
	v6 =	vunpack.c.0.s8.s32 v9;
	v7 =	vunpack.c.0.s8.s32 v7  }
0x20: {  	s18 =	simm.s32 $0x980;
	s19 =	simm.s32 $0x1180;
	s20 =	simm.s32 $0x1980;
	v8 =	vand.u32 $0xF, v10;
	v9 =	vimm.s32 $0x4070605;
	v10 =	vimm.s32 $0x0  }
0x21: {  	s21 =	simm.s32 $0x2180;
	s22 =	simm.s32 $0x2980;
	s23 =	simm.s32 $0x100;
	v9 =	vunpack.c.0.s8.s32 v9;
	v6 =	vand.u32 $0x3, v6;
	v7 =	vand.u32 $0x3, v7  }
0x22: {  	s24 =	simm.s32 $0x80;
	s25 =	simm.s32 $0x7180;
	s26 =	simm.s32 $0x3180;
	v7 =	vnsel vm6, $0x8, v7;
	vm6 =	vcmask $0x3B2C;
	v6 =	vsel vm5, v8, v6  }
0x23: {  	s28 =	simm.s32 $0x4980;
	s29 =	simm.s32 $0x6180;
	s1 =	sshrl.u32 s0, $0x1;
	vm5 =	vmmov $0x3f;
	v8 =	vimm.s32 $0x1;
	v7 =	vsel vm6, v9, v7  }
0x24: {  	s30 =	simm.s32 $0x6980;
	s31 =	simm.s32 $0x0;
	s14 =	ssub.s32 s0, s1;
	vm6 =	vmmov $0x7f;
	v9 =	vor.u32 $0x1, v11;
	v11 =	vor.u32 $0x1001, v11  }
.LBB2_2:
0x25: {  	[tilespmem:s15], [sflag:$0x1] =	stream.linear.gather [hbm4b:s3+s15], $0x10, $0x38;
	[tilespmem:$0x7200] =	vst v63  }
0x26: {  	_ =	swait.ge [sflag:s16], $0x10  }
0x27: {  	[sflag:s16] =	ssyncset.done $0x0  }
0x28: {  	[sflag:s16] =	ssyncadd.s32 $0xFFFFFFF0  }
0x29: {  	[tilespmem:s17], [sflag:$0x1] =	stream.linear.gather [hbm4b:s4+s15], $0x800, $0x38;
	[tilespmem:$0x7200] =	vst v63  }
0x2a: {  	_ =	swait.ge [sflag:s16], $0x800  }
0x2b: {  	[sflag:s16] =	ssyncset.done $0x0  }
0x2c: {  	[sflag:s16] =	ssyncadd.s32 $0xFFFFF800  }
0x2d: {  	[tilespmem:s18], [sflag:$0x1] =	stream.linear.gather [hbm4b:s5+s15], $0x800, $0x38;
	[tilespmem:$0x7200] =	vst v63  }
0x2e: {  	_ =	swait.ge [sflag:s16], $0x800  }
0x2f: {  	[sflag:s16] =	ssyncset.done $0x0  }
0x30: {  	[sflag:s16] =	ssyncadd.s32 $0xFFFFF800  }
0x31: {  	[tilespmem:s19], [sflag:$0x1] =	stream.linear.gather [hbm4b:s6+s15], $0x800, $0x38;
	[tilespmem:$0x7200] =	vst v63  }
0x32: {  	_ =	swait.ge [sflag:s16], $0x800  }
0x33: {  	[sflag:s16] =	ssyncset.done $0x0  }
0x34: {  	[sflag:s16] =	ssyncadd.s32 $0xFFFFF800  }
0x35: {  	[tilespmem:s20], [sflag:$0x1] =	stream.linear.gather [hbm4b:s7+s15], $0x800, $0x38;
	[tilespmem:$0x7200] =	vst v63  }
0x36: {  	_ =	swait.ge [sflag:s16], $0x800  }
0x37: {  	[sflag:s16] =	ssyncset.done $0x0  }
0x38: {  	[sflag:s16] =	ssyncadd.s32 $0xFFFFF800  }
0x39: {  	[tilespmem:s21], [sflag:$0x1] =	stream.linear.gather [hbm4b:s8+s15], $0x800, $0x38;
	[tilespmem:$0x7200] =	vst v63  }
0x3a: {  	_ =	swait.ge [sflag:s16], $0x800  }
0x3b: {  	[sflag:s16] =	ssyncset.done $0x0  }
0x3c: {  	[sflag:s16] =	ssyncadd.s32 $0xFFFFF800  }
0x3d: {  	[tilespmem:s22], [sflag:$0x1] =	stream.linear.gather [hbm4b:s9+s15], $0x800, $0x38;
	[tilespmem:$0x7200] =	vst v63  }
0x3e: {  	_ =	swait.ge [sflag:s16], $0x800  }
0x3f: {  	[sflag:s16] =	ssyncset.done $0x0  }
0x40: {  	[sflag:s16] =	ssyncadd.s32 $0xFFFFF800  }
0x41: {  	v19 =	vld [tilespmem:$0x0];
	_ =	sdelay $0x4  }
0x42: {  	v19 =	vadd.s32 $0xFF, v19  }
0x43: {  	v19 =	vand.u32 $0xFFFFFF00, v19  }
0x44: {  	v19 =	vnsel vm0, $0x0, v19  }
0x45: {  	[tilespmem:$0x100] =	vst v19  }
0x46: {  	v19 =	vld.idx.msk [tilespmem:v0+s23+$0x0], $0xffff  }
0x47: {  	v20 =	vld.idx.msk [tilespmem:v2+s23+$0x0], $0xffff  }
0x48: {  	v21 =	vld.idx.msk [tilespmem:v3+s23+$0x0], $0xffff  }
0x49: {  	v22 =	vld.idx.msk [tilespmem:v4+s23+$0x0], $0xffff  }
0x4a: {  	v23 =	vld.idx.msk [tilespmem:v5+s23+$0x0], $0xffff  }
0x4b: {  	vm7 =	veq.s32 v1, $0x0;
	v24 =	vld.idx.msk [tilespmem:v6+s23+$0x0], $0xffff  }
0x4c: {  	v25 =	vld.idx.msk [tilespmem:v7+s23+$0x0], $0xffff;
	v19 =	vsel vm7, $0x0, v19;
	v20 =	vsel vm1, $0x0, v20  }
0x4d: {  	v19 =	vadd.s32 v19, v20;
	v20 =	vsel vm2, $0x0, v21  }
0x4e: {  	v19 =	vadd.s32 v20, v19;
	v20 =	vsel vm3, $0x0, v22  }
0x4f: {  	v19 =	vadd.s32 v20, v19;
	v20 =	vsel vm4, $0x0, v23  }
0x50: {  	v19 =	vadd.s32 v20, v19;
	v20 =	vsel vm5, $0x0, v24  }
0x51: {  	v19 =	vadd.s32 v20, v19;
	v20 =	vsel vm6, $0x0, v25  }
0x52: {  	v19 =	vadd.s32 v20, v19  }
0x53: {  	[tilespmem:$0x80] =	vst v19  }
0x54: {  	v19 =	vld.idx.msk [tilespmem:v8+s24+$0x0], $0xffff;
	_ =	sdelay $0x1  }
0x55: {  	v20 =	vld.idx.msk [tilespmem:v12+s24+$0x0], $0xffff  }
0x56: {  	v48 =	vld.idx.msk [tilespmem:v13+s24+$0x0], $0xffff;
	_ =	sdelay $0x1  }
0x57: {  	v49 =	vld.idx.msk [tilespmem:v14+s24+$0x0], $0xffff;
	vm7 =	vlt.s32 v19, v9  }
0x58: {  	v50 =	vsel vm7, $0x1, v10;
	vm7 =	vlt.s32 v19, v11  }
0x59: {  	vm8 =	vlt.s32 v20, v11;
	v19 =	vsel vm7, $0x1, v10;
	vm7 =	vlt.s32 v20, v9;
	v20 =	vld.idx.msk [tilespmem:v15+s24+$0x0], $0xffff  }
0x5a: {  	v52 =	vsel vm8, $0x1, v10;
	v51 =	vsel vm7, $0x1, v10;
	vm7 =	vlt.s32 v48, v9  }
0x5b: {  	v54 =	vld.idx.msk [tilespmem:v16+s24+$0x0], $0xffff;
	v19 =	vadd.s32 v19, v52;
	v53 =	vsel vm7, $0x1, v10;
	vm7 =	vlt.s32 v48, v11  }
0x5c: {  	v23 =	vadd.s32 v50, v51;
	v55 =	vsel vm7, $0x1, v10;
	vm7 =	vlt.s32 v49, v9  }
0x5d: {  	v57 =	vld.idx.msk [tilespmem:v17+s24+$0x0], $0xffff;
	v23 =	vadd.s32 v53, v23;
	v56 =	vsel vm7, $0x1, v10;
	vm7 =	vlt.s32 v49, v11  }
0x5e: {  	v19 =	vadd.s32 v55, v19;
	v58 =	vsel vm7, $0x1, v10;
	vm7 =	vlt.s32 v20, v9  }
0x5f: {  	v23 =	vadd.s32 v56, v23;
	v59 =	vsel vm7, $0x1, v10;
	vm7 =	vlt.s32 v20, v11  }
0x60: {  	v19 =	vadd.s32 v58, v19;
	v20 =	vsel vm7, $0x1, v10;
	vm7 =	vlt.s32 v54, v9  }
0x61: {  	v23 =	vadd.s32 v59, v23;
	v60 =	vsel vm7, $0x1, v10;
	vm7 =	vlt.s32 v54, v11  }
0x62: {  	v19 =	vadd.s32 v20, v19;
	v20 =	vsel vm7, $0x1, v10;
	vm7 =	vlt.s32 v57, v9  }
0x63: {  	v61 =	vadd.s32 v60, v23;
	v62 =	vsel vm7, $0x1, v10;
	vm7 =	vlt.s32 v57, v11  }
0x64: {  	v19 =	vadd.s32 v20, v19;
	v20 =	vadd.s32 v62, v61;
	v63 =	vsel vm7, $0x1, v10  }
0x65: {  	v19 =	vadd.s32 v63, v19;
	[tilespmem:$0x7180] =	vst v20  }
0x66: {  	[tilespmem:$0x7190] =	vst v19  }
0x67: {  	[hbm4b:s13+s15] =	stream.linear.scatter [tilespmem:s25], [sflag:$0x1], $0x80, $0x38;
	[tilespmem:$0x7200] =	vst v63  }
0x68: {  	_ =	swait.ge [sflag:s16], $0x80  }
0x69: {  	[sflag:s16] =	ssyncset.done $0x0  }
0x6a: {  	s0 =	simm.s32 $0x0;
	[sflag:s16] =	ssyncadd.s32 $0xFFFFFF80  }
.LBB2_3:
0x6b: {  	p0 =	sne.s32 s0, $0x5FC0  }
.Ltmp1:
0x6c: {  	_ = 	snop;
	(pc) =	sbr.rel @p0 .LBB2_3-.Ltmp1, $4  }
0x6d: {  	_ = 	snop  }
0x6e: {  	s1 =	sshra.s32 s0, $0x2  }
0x6f: {  	[tilespmem:s1+$0x3180] =	vst v10  }
0x70: {  	s0 =	sadd.s32 $0x40, s0;
	[tilespmem:s1+$0x4980] =	vst v18  }
0x71: {  	s1 =	simm.s32 $0x0;
	s0 =	simm.s32 $0x0  }
.LBB2_5:
0x72: {  	s2 =	sshra.s32 s0, $0x2  }
0x73: {  	v19 =	vld [tilespmem:s2+$0x180];
	_ =	sdelay $0x6  }
0x74: {  	v20 =	vld [tilespmem:s2+$0x1180]  }
0x75: {  	v19 =	vld.idx.msk [tilespmem:v19+s24+$0x0], $0xffff;
	_ =	sdelay $0x4  }
0x76: {  	v19 =	vadd.s32 v19, v20;
	_ =	sdelay $0x3  }
0x77: {  	v20 =	vor.u32 s1, v1;
	[tilespmem:s2+$0x6180] =	vst v19  }
0x78: {  	[tilespmem:v19+s26+$0x0] =	vst.idx.msk $0xffff, v20  }
0x79: {  	v21 =	vld [tilespmem:s2+$0x2180];
	_ =	sdelay $0x4  }
0x7a: {  	[tilespmem:v19+s28+$0x0] =	vst.idx.msk $0xffff, v21  }
0x7b: {  	v19 =	vld [tilespmem:s2+$0x980];
	_ =	sdelay $0x6  }
0x7c: {  	v21 =	vld [tilespmem:s2+$0x1980]  }
0x7d: {  	v19 =	vld.idx.msk [tilespmem:v19+s24+$0x0], $0xffff;
	_ =	sdelay $0x4  }
0x7e: {  	v19 =	vadd.s32 v19, v21;
	_ =	sdelay $0x3  }
0x7f: {  	[tilespmem:s2+$0x6980] =	vst v19  }
0x80: {  	[tilespmem:v19+s26+$0x0] =	vst.idx.msk $0xffff, v20  }
0x81: {  	p0 =	sne.s32 s0, $0x1FC0;
	v20 =	vld [tilespmem:s2+$0x2980]  }
.Ltmp2:
0x82: {  	_ = 	snop;
	(pc) =	sbr.rel @p0 .LBB2_5-.Ltmp2, $2  }
0x83: {  	_ =	sdelay $0x2  }
0x84: {  	s0 =	sadd.s32 $0x40, s0;
	s1 =	sadd.s32 $0x10, s1;
	[tilespmem:v19+s28+$0x0] =	vst.idx.msk $0xffff, v20  }
0x85: {  	s0 =	rddreg [dreg:$0x1]  }
0x86: {  	[hbm4b:s0+s15] =	stream.linear.scatter [tilespmem:s26], [sflag:$0x1], $0x1800, $0x38;
	[tilespmem:$0x7200] =	vst v63  }
0x87: {  	_ =	swait.ge [sflag:s16], $0x1800  }
0x88: {  	[sflag:s16] =	ssyncset.done $0x0  }
0x89: {  	[sflag:s16] =	ssyncadd.s32 $0xFFFFE800  }
0x8a: {  	[hbm4b:s10+s15] =	stream.linear.scatter [tilespmem:s28], [sflag:$0x1], $0x1800, $0x38;
	[tilespmem:$0x7200] =	vst v63  }
0x8b: {  	_ =	swait.ge [sflag:s16], $0x1800  }
0x8c: {  	[sflag:s16] =	ssyncset.done $0x0  }
0x8d: {  	[sflag:s16] =	ssyncadd.s32 $0xFFFFE800  }
0x8e: {  	[hbm4b:s11+s15] =	stream.linear.scatter [tilespmem:s29], [sflag:$0x1], $0x800, $0x38;
	[tilespmem:$0x7200] =	vst v63  }
0x8f: {  	s31 =	sadd.s32 $0x1, s31;
	_ =	swait.ge [sflag:s16], $0x800  }
0x90: {  	p0 =	sne.s32 s31, s14;
	[sflag:s16] =	ssyncset.done $0x0  }
.Ltmp3:
0x91: {  	[sflag:s16] =	ssyncadd.s32 $0xFFFFF800;
	(pc) =	sbr.rel @p0 .LBB2_2-.Ltmp3, $4  }
0x92: {  	[hbm4b:s12+s15] =	stream.linear.scatter [tilespmem:s30], [sflag:$0x1], $0x800, $0x38;
	[tilespmem:$0x7200] =	vst v63  }
0x93: {  	_ =	swait.ge [sflag:s16], $0x800  }
0x94: {  	[sflag:s16] =	ssyncset.done $0x0  }
0x95: {  	[sflag:s16] =	ssyncadd.s32 $0xFFFFF800  }
.LBB2_7:
0x96: {  	_ =	sfence.sel $0x180000  }
0x97: {  	[bflag:$0x0] =	sbarrier.arrive $0xFFFF  }
0x98: {  	_ =	strace $0x90000047  }
0x99: {  	s0 =	stileid.u32;
	[bflag:$0x2] =	sbarrier.arrive $0xFFFF  }
0x9a: {  	p0 =	sne.s32 s0, $0x0;
	s0 =	rddreg [dreg:$0x2]  }
0x9b: {  	s0 =	sadd.s32 @!p0 $0x100000, s0  }
0x9c: {  	[sflag:s0] =	ssyncadd.tile.s32 @!p0 $0x1;
	_ =	shalt  }
.Lfunc_end2:
_tile_overlayer_lowered:
.L_overlay_start_2:
0x9d: {  	(tag) =	ssettag $0x2  }
0x9e: {  	s0 =	rddreg [dreg:$0x0];
	s2 =	stileid.u32  }
0x9f: {  	s1 =	rddreg [dreg:$0x1];
	p0 =	sne.s32 s2, $0x0  }
0xa0: {  	s3 =	rddreg [dreg:$0x2];
	[bflag:$0x3] =	sbarrier.arrive $0xFFFF;
	s2 =	simm.s32 @!p0 $0x1C01  }
0xa1: {  	[timem:s3], [sflag:s2] =	dma.local @!p0 [hbm:s0], s1  }
0xa2: {  	s0 =	simm.s32 @!p0 $0x1  }
0xa3: {  	_ =	swait.ge @!p0 [sflag:s0], s1  }
0xa4: {  	s1 =	ssub.s32 @!p0 $0x0, s1;
	[sflag:s0] =	ssyncset.done @!p0 $0x0  }
0xa5: {  	[sflag:s0] =	ssyncadd.s32 @!p0 s1  }
0xa6: {  	[bflag:$0x3] =	sbarrier.arrive $0xFFFF  }
0xa7: {  	_ =	shalt  }

</sc_bundles>
